<compile_context>
chip_gen: v7x
topology: tpu7x:2x2x1
jax: 0.10.2.dev20260603
libtpu: 0.0.44.dev20260713+nightly
codegen_flags: <defaults>
</compile_context>

<pallas_src>
import jax
import jax.numpy as jnp
from jax import lax
from jax.experimental import pallas as pl
from jax.experimental.pallas import tpu as pltpu
from jax.experimental.pallas import tpu_sc as plsc

B = 16384
D = 64
NC = 2
NS = 16
NW = NC * NS
BPW = B // NW
PP = 17


def _body(midx_hbm, uidx_hbm, wm_hbm, wu_hbm, mu_hbm, bm_hbm, bu_hbm, out_hbm,
          midx_v, uidx_v, rows_m, rows_u, bm_v, bu_v, mu_v, part_v,
          out_v, sem_m, sem_u, sem_bm, sem_bu):
    wid = lax.axis_index("s") * NC + lax.axis_index("c")
    base = wid * BPW

    pltpu.sync_copy(midx_hbm.at[pl.ds(base, BPW)], midx_v)
    pltpu.sync_copy(uidx_hbm.at[pl.ds(base, BPW)], uidx_v)
    pltpu.sync_copy(mu_hbm, mu_v.at[pl.ds(0, 1)])

    iota16 = lax.iota(jnp.int32, 16)
    zero16 = jnp.zeros((16,), jnp.int32)

    cm = pltpu.async_copy(wm_hbm.at[midx_v], rows_m, sem_m)
    cu = pltpu.async_copy(wu_hbm.at[uidx_v], rows_u, sem_u)
    cbm = pltpu.async_copy(bm_hbm.at[midx_v], bm_v, sem_bm)
    cbu = pltpu.async_copy(bu_hbm.at[uidx_v], bu_v, sem_bu)
    cm.wait()
    cu.wait()
    cbm.wait()
    cbu.wait()

    def row(r, _):
        a0 = rows_m[r, pl.ds(0, 16)] * rows_u[r, pl.ds(0, 16)]
        a1 = rows_m[r, pl.ds(16, 16)] * rows_u[r, pl.ds(16, 16)]
        a2 = rows_m[r, pl.ds(32, 16)] * rows_u[r, pl.ds(32, 16)]
        a3 = rows_m[r, pl.ds(48, 16)] * rows_u[r, pl.ds(48, 16)]
        part_v[r, pl.ds(0, 16)] = (a0 + a1) + (a2 + a3)
        return 0

    lax.fori_loop(0, BPW, row, 0, unroll=8)

    mu_s = mu_v[...][0]

    def blk(j, _):
        rb = j * 16
        rows = rb + iota16
        acc0 = bm_v[pl.ds(rb, 16)]
        acc1 = bu_v[pl.ds(rb, 16)]
        acc2 = mu_s + plsc.load_gather(part_v, [rows, zero16])
        acc3 = plsc.load_gather(part_v, [rows, zero16 + 1])
        for c in range(2, 16, 2):
            acc2 = acc2 + plsc.load_gather(part_v, [rows, zero16 + c])
            acc3 = acc3 + plsc.load_gather(part_v, [rows, zero16 + (c + 1)])
        out_v[pl.ds(rb, 16)] = (acc0 + acc1) + (acc2 + acc3)
        return 0

    lax.fori_loop(0, BPW // 16, blk, 0, unroll=2)

    pltpu.sync_copy(out_v, out_hbm.at[pl.ds(base, BPW)])


@jax.jit
def kernel(x, W_movie, W_user, mu, b_movie, b_user):
    mesh = plsc.VectorSubcoreMesh(core_axis_name="c", subcore_axis_name="s",
                                  num_cores=NC, num_subcores=NS)
    run = pl.kernel(
        _body,
        out_type=jax.ShapeDtypeStruct((B,), jnp.float32),
        mesh=mesh,
        compiler_params=pltpu.CompilerParams(needs_layout_passes=False,
                                             use_tc_tiling_on_sc=False),
        scratch_types=[
            pltpu.VMEM((BPW,), jnp.int32),
            pltpu.VMEM((BPW,), jnp.int32),
            pltpu.VMEM((BPW, D), jnp.float32),
            pltpu.VMEM((BPW, D), jnp.float32),
            pltpu.VMEM((BPW,), jnp.float32),
            pltpu.VMEM((BPW,), jnp.float32),
            pltpu.VMEM((16,), jnp.float32),
            pltpu.VMEM((BPW, PP), jnp.float32),
            pltpu.VMEM((BPW,), jnp.float32),
            pltpu.SemaphoreType.DMA,
            pltpu.SemaphoreType.DMA,
            pltpu.SemaphoreType.DMA,
            pltpu.SemaphoreType.DMA,
        ],
    )
    return run(x[:, 1], x[:, 0], W_movie, W_user, mu.reshape(-1),
               b_movie.reshape(-1), b_user.reshape(-1))

# --- scband reference (transcript-rebuilt; emitter-appended) ---
"""Pipeline reference for scband-latent-embedding-model-44135083934271 (READ-ONLY COPY).

The authoritative reference and input builder live on the scoring server;
editing this copy changes nothing except your own understanding.
"""

import jax, jax.numpy as jnp
import numpy as np

MOVIE_COUNT = 100000
USER_COUNT = 100000
N_EMBED = 64
BATCH = 16384


def setup_inputs(seed: int = 0) -> dict:
    key = jax.random.key(seed)
    k1, k2, k3, k4, k5, k6 = jax.random.split(key, 6)
    x = jax.random.randint(k1, (BATCH, 2), 0, MOVIE_COUNT, dtype=jnp.int64 if jax.config.jax_enable_x64 else jnp.int32).astype(jnp.int32)
    W_movie = jax.random.normal(k2, (MOVIE_COUNT, N_EMBED), dtype=jnp.float32)
    W_user = jax.random.normal(k3, (USER_COUNT, N_EMBED), dtype=jnp.float32)
    mu = jax.random.normal(k4, (1, 1), dtype=jnp.float32)
    b_movie = jax.random.normal(k5, (MOVIE_COUNT, 1), dtype=jnp.float32)
    b_user = jax.random.normal(k6, (USER_COUNT, 1), dtype=jnp.float32)
    return {"x": x, "W_movie": W_movie, "W_user": W_user, "mu": mu, "b_movie": b_movie, "b_user": b_user}


def reference(x, W_movie, W_user, mu, b_movie, b_user):
    movie_idx = x[:, 1]
    user_idx = x[:, 0]
    x_movie = jnp.take(W_movie, movie_idx, axis=0)          # [B, n_embed]
    x_user = jnp.take(W_user, user_idx, axis=0)             # [B, n_embed]
    zero_idx = jnp.zeros((x.shape[0],), dtype=jnp.int32)
    mu_vec = jnp.take(mu, zero_idx, axis=0).reshape(-1)     # [B]
    bm = jnp.take(b_movie, movie_idx, axis=0).reshape(-1)   # [B]
    bu = jnp.take(b_user, user_idx, axis=0).reshape(-1)     # [B]
    out = mu_vec + bm + bu + jnp.sum(x_movie * x_user, axis=1)
    return out

if __name__ == "__main__":
    import jax
    _d = setup_inputs()
    print(jax.jit(kernel)(*tuple(_d.values())))

</pallas_src>

<mosaic_0001>
#map = affine_map<(d0, d1) -> (0)>
#map1 = affine_map<(d0, d1) -> (0, 0)>
module attributes {stable_mosaic.version = 14 : i64} {
  func.func @_body(%arg0: i32, %arg1: i32, %arg2: memref<16384xi32, #tpu.memory_space<hbm>>, %arg3: memref<16384xi32, #tpu.memory_space<hbm>>, %arg4: memref<100000x64xf32, #tpu.memory_space<hbm>>, %arg5: memref<100000x64xf32, #tpu.memory_space<hbm>>, %arg6: memref<1xf32, #tpu.memory_space<hbm>>, %arg7: memref<100000xf32, #tpu.memory_space<hbm>>, %arg8: memref<100000xf32, #tpu.memory_space<hbm>>, %arg9: memref<16384xf32, #tpu.memory_space<hbm>>, %arg10: memref<512xi32, #tpu.memory_space<vmem>>, %arg11: memref<512xi32, #tpu.memory_space<vmem>>, %arg12: memref<512x64xf32, #tpu.memory_space<vmem>>, %arg13: memref<512x64xf32, #tpu.memory_space<vmem>>, %arg14: memref<512xf32, #tpu.memory_space<vmem>>, %arg15: memref<512xf32, #tpu.memory_space<vmem>>, %arg16: memref<16xf32, #tpu.memory_space<vmem>>, %arg17: memref<512x17xf32, #tpu.memory_space<vmem>>, %arg18: memref<512xf32, #tpu.memory_space<vmem>>, %arg19: memref<!tpu.dma_semaphore, #tpu.memory_space<semaphore_mem>>, %arg20: memref<!tpu.dma_semaphore, #tpu.memory_space<semaphore_mem>>, %arg21: memref<!tpu.dma_semaphore, #tpu.memory_space<semaphore_mem>>, %arg22: memref<!tpu.dma_semaphore, #tpu.memory_space<semaphore_mem>>) attributes {dimension_semantics = [#tpu.dimension_semantics<core_parallel>, #tpu.dimension_semantics<subcore_parallel>], iteration_bounds = array<i64: 2, 16>, scalar_prefetch = 0 : i64, scratch_operands = 13 : i64, tpu.core_type = #tpu.core_type<sc_vector_subcore>, window_params = [{transform_indices = #map}, {transform_indices = #map}, {transform_indices = #map1}, {transform_indices = #map1}, {transform_indices = #map}, {transform_indices = #map}, {transform_indices = #map}, {transform_indices = #map}]} {
    %mul3A = arith.constant 2 : i32
    %mul3A_0 = arith.muli %arg1, %mul3A : i32
    %add3A = arith.addi %mul3A_0, %arg0 : i32
    %mul3A_1 = arith.constant 512 : i32
    %mul3A_2 = arith.muli %add3A, %mul3A_1 : i32
    "tpu.region"() ({
      %run_scoped3A = tpu.sem_alloc : memref<!tpu.dma_semaphore, #tpu.memory_space<semaphore_mem>>
      %dma_start3A_36 = tpu.memref_slice %arg2[%mul3A_2] : memref<16384xi32, #tpu.memory_space<hbm>> -> memref<512xi32, #tpu.memory_space<hbm>>
      %dma_start3A_37 = tpu.memref_slice %arg2[%mul3A_2] : memref<16384xi32, #tpu.memory_space<hbm>> -> memref<512xi32, #tpu.memory_space<hbm>>
      tpu.enqueue_dma source(%dma_start3A_37 : memref<512xi32, #tpu.memory_space<hbm>>) target(%arg10 : memref<512xi32, #tpu.memory_space<vmem>>) target_semaphore(%run_scoped3A : memref<!tpu.dma_semaphore, #tpu.memory_space<semaphore_mem>>)
      %dma_wait3A_38 = tpu.memref_slice %arg2[%mul3A_2] : memref<16384xi32, #tpu.memory_space<hbm>> -> memref<512xi32, #tpu.memory_space<hbm>>
      %dma_wait3A_39 = tpu.memref_slice %arg2[%mul3A_2] : memref<16384xi32, #tpu.memory_space<hbm>> -> memref<512xi32, #tpu.memory_space<hbm>>
      tpu.wait_dma2 semaphore(%run_scoped3A : memref<!tpu.dma_semaphore, #tpu.memory_space<semaphore_mem>>) src(%dma_wait3A_39 : memref<512xi32, #tpu.memory_space<hbm>>) dst(%arg10 : memref<512xi32, #tpu.memory_space<vmem>>)
      tpu.yield
    }) : () -> ()
    "tpu.region"() ({
      %run_scoped3A = tpu.sem_alloc : memref<!tpu.dma_semaphore, #tpu.memory_space<semaphore_mem>>
      %dma_start3A_36 = tpu.memref_slice %arg3[%mul3A_2] : memref<16384xi32, #tpu.memory_space<hbm>> -> memref<512xi32, #tpu.memory_space<hbm>>
      %dma_start3A_37 = tpu.memref_slice %arg3[%mul3A_2] : memref<16384xi32, #tpu.memory_space<hbm>> -> memref<512xi32, #tpu.memory_space<hbm>>
      tpu.enqueue_dma source(%dma_start3A_37 : memref<512xi32, #tpu.memory_space<hbm>>) target(%arg11 : memref<512xi32, #tpu.memory_space<vmem>>) target_semaphore(%run_scoped3A : memref<!tpu.dma_semaphore, #tpu.memory_space<semaphore_mem>>)
      %dma_wait3A_38 = tpu.memref_slice %arg3[%mul3A_2] : memref<16384xi32, #tpu.memory_space<hbm>> -> memref<512xi32, #tpu.memory_space<hbm>>
      %dma_wait3A_39 = tpu.memref_slice %arg3[%mul3A_2] : memref<16384xi32, #tpu.memory_space<hbm>> -> memref<512xi32, #tpu.memory_space<hbm>>
      tpu.wait_dma2 semaphore(%run_scoped3A : memref<!tpu.dma_semaphore, #tpu.memory_space<semaphore_mem>>) src(%dma_wait3A_39 : memref<512xi32, #tpu.memory_space<hbm>>) dst(%arg11 : memref<512xi32, #tpu.memory_space<vmem>>)
      tpu.yield
    }) : () -> ()
    "tpu.region"() ({
      %run_scoped3A = tpu.sem_alloc : memref<!tpu.dma_semaphore, #tpu.memory_space<semaphore_mem>>
      %dma_start3A_36 = arith.constant 0 : i32
      %dma_start3A_37 = tpu.memref_slice %arg16[%dma_start3A_36] : memref<16xf32, #tpu.memory_space<vmem>> -> memref<1xf32, #tpu.memory_space<vmem>>
      %dma_start3A_38 = arith.constant 0 : i32
      %dma_start3A_39 = tpu.memref_slice %arg16[%dma_start3A_38] : memref<16xf32, #tpu.memory_space<vmem>> -> memref<1xf32, #tpu.memory_space<vmem>>
      tpu.enqueue_dma source(%arg6 : memref<1xf32, #tpu.memory_space<hbm>>) target(%dma_start3A_39 : memref<1xf32, #tpu.memory_space<vmem>>) target_semaphore(%run_scoped3A : memref<!tpu.dma_semaphore, #tpu.memory_space<semaphore_mem>>)
      %dma_wait3A_40 = arith.constant 0 : i32
      %dma_wait3A_41 = tpu.memref_slice %arg16[%dma_wait3A_40] : memref<16xf32, #tpu.memory_space<vmem>> -> memref<1xf32, #tpu.memory_space<vmem>>
      %dma_wait3A_42 = arith.constant 0 : i32
      %dma_wait3A_43 = tpu.memref_slice %arg16[%dma_wait3A_42] : memref<16xf32, #tpu.memory_space<vmem>> -> memref<1xf32, #tpu.memory_space<vmem>>
      tpu.wait_dma2 semaphore(%run_scoped3A : memref<!tpu.dma_semaphore, #tpu.memory_space<semaphore_mem>>) src(%arg6 : memref<1xf32, #tpu.memory_space<hbm>>) dst(%dma_wait3A_43 : memref<1xf32, #tpu.memory_space<vmem>>)
      tpu.yield
    }) : () -> ()
    %iota3A = tpu.iota {dimensions = array<i32: 0>} : vector<16xi32>
    %broadcast_in_dim3A = arith.constant 0 : i32
    %broadcast_in_dim3A_3 = vector.broadcast %broadcast_in_dim3A : i32 to vector<16xi32>
    %dma_start3A = arith.constant 0 : i32
    %dma_start3A_4 = arith.constant 0 : i32
    %dma_start3A_5 = tpu.memref_slice %arg4[%dma_start3A, %dma_start3A_4] : memref<100000x64xf32, #tpu.memory_space<hbm>> -> memref<100000x64xf32, #tpu.memory_space<hbm>>
    tpu.enqueue_indirect_dma source(%dma_start3A_5 : memref<100000x64xf32, #tpu.memory_space<hbm>>) target(%arg12 : memref<512x64xf32, #tpu.memory_space<vmem>>) offsets(%arg10 : memref<512xi32, #tpu.memory_space<vmem>>) semaphore(%arg19 : memref<!tpu.dma_semaphore, #tpu.memory_space<semaphore_mem>>)
    %dma_start3A_6 = arith.constant 0 : i32
    %dma_start3A_7 = arith.constant 0 : i32
    %dma_start3A_8 = tpu.memref_slice %arg5[%dma_start3A_6, %dma_start3A_7] : memref<100000x64xf32, #tpu.memory_space<hbm>> -> memref<100000x64xf32, #tpu.memory_space<hbm>>
    tpu.enqueue_indirect_dma source(%dma_start3A_8 : memref<100000x64xf32, #tpu.memory_space<hbm>>) target(%arg13 : memref<512x64xf32, #tpu.memory_space<vmem>>) offsets(%arg11 : memref<512xi32, #tpu.memory_space<vmem>>) semaphore(%arg20 : memref<!tpu.dma_semaphore, #tpu.memory_space<semaphore_mem>>)
    %dma_start3A_9 = arith.constant 0 : i32
    %dma_start3A_10 = tpu.memref_slice %arg7[%dma_start3A_9] : memref<100000xf32, #tpu.memory_space<hbm>> -> memref<100000xf32, #tpu.memory_space<hbm>>
    tpu.enqueue_indirect_dma source(%dma_start3A_10 : memref<100000xf32, #tpu.memory_space<hbm>>) target(%arg14 : memref<512xf32, #tpu.memory_space<vmem>>) offsets(%arg10 : memref<512xi32, #tpu.memory_space<vmem>>) semaphore(%arg21 : memref<!tpu.dma_semaphore, #tpu.memory_space<semaphore_mem>>)
    %dma_start3A_11 = arith.constant 0 : i32
    %dma_start3A_12 = tpu.memref_slice %arg8[%dma_start3A_11] : memref<100000xf32, #tpu.memory_space<hbm>> -> memref<100000xf32, #tpu.memory_space<hbm>>
    tpu.enqueue_indirect_dma source(%dma_start3A_12 : memref<100000xf32, #tpu.memory_space<hbm>>) target(%arg15 : memref<512xf32, #tpu.memory_space<vmem>>) offsets(%arg11 : memref<512xi32, #tpu.memory_space<vmem>>) semaphore(%arg22 : memref<!tpu.dma_semaphore, #tpu.memory_space<semaphore_mem>>)
    %dma_wait3A = arith.constant 0 : i32
    %dma_wait3A_13 = arith.constant 0 : i32
    %dma_wait3A_14 = tpu.memref_slice %arg4[%dma_wait3A, %dma_wait3A_13] : memref<100000x64xf32, #tpu.memory_space<hbm>> -> memref<100000x64xf32, #tpu.memory_space<hbm>>
    tpu.wait_indirect_dma semaphore(%arg19 : memref<!tpu.dma_semaphore, #tpu.memory_space<semaphore_mem>>) src(%dma_wait3A_14 : memref<100000x64xf32, #tpu.memory_space<hbm>>) dst(%arg12 : memref<512x64xf32, #tpu.memory_space<vmem>>)
    %dma_wait3A_15 = arith.constant 0 : i32
    %dma_wait3A_16 = arith.constant 0 : i32
    %dma_wait3A_17 = tpu.memref_slice %arg5[%dma_wait3A_15, %dma_wait3A_16] : memref<100000x64xf32, #tpu.memory_space<hbm>> -> memref<100000x64xf32, #tpu.memory_space<hbm>>
    tpu.wait_indirect_dma semaphore(%arg20 : memref<!tpu.dma_semaphore, #tpu.memory_space<semaphore_mem>>) src(%dma_wait3A_17 : memref<100000x64xf32, #tpu.memory_space<hbm>>) dst(%arg13 : memref<512x64xf32, #tpu.memory_space<vmem>>)
    %dma_wait3A_18 = arith.constant 0 : i32
    %dma_wait3A_19 = tpu.memref_slice %arg7[%dma_wait3A_18] : memref<100000xf32, #tpu.memory_space<hbm>> -> memref<100000xf32, #tpu.memory_space<hbm>>
    tpu.wait_indirect_dma semaphore(%arg21 : memref<!tpu.dma_semaphore, #tpu.memory_space<semaphore_mem>>) src(%dma_wait3A_19 : memref<100000xf32, #tpu.memory_space<hbm>>) dst(%arg14 : memref<512xf32, #tpu.memory_space<vmem>>)
    %dma_wait3A_20 = arith.constant 0 : i32
    %dma_wait3A_21 = tpu.memref_slice %arg8[%dma_wait3A_20] : memref<100000xf32, #tpu.memory_space<hbm>> -> memref<100000xf32, #tpu.memory_space<hbm>>
    tpu.wait_indirect_dma semaphore(%arg22 : memref<!tpu.dma_semaphore, #tpu.memory_space<semaphore_mem>>) src(%dma_wait3A_21 : memref<100000xf32, #tpu.memory_space<hbm>>) dst(%arg15 : memref<512xf32, #tpu.memory_space<vmem>>)
    %scan3A = arith.constant 0 : i32
    %scan3A_22 = arith.constant 0 : i32
    %scan3A_23 = arith.constant 512 : i32
    %scan3A_24 = arith.addi %scan3A_22, %scan3A_23 : i32
    %scan3A_25 = arith.constant 8 : i32
    %scan3A_26 = scf.for %scan3A_36 = %scan3A_22 to %scan3A_24 step %scan3A_25 iter_args(%scan3A_37 = %scan3A) -> (i32)  : i32 {
      %get3A_38 = arith.index_cast %scan3A_36 : i32 to index
      %get3A_39 = arith.constant 0 : index
      %get3A_40 = tpu.vector_load %arg12[%get3A_38, %get3A_39] {strides = array<i32>} : memref<512x64xf32, #tpu.memory_space<vmem>>, vector<16xf32>,
      %get3A_41 = arith.index_cast %scan3A_36 : i32 to index
      %get3A_42 = arith.constant 0 : index
      %get3A_43 = tpu.vector_load %arg13[%get3A_41, %get3A_42] {strides = array<i32>} : memref<512x64xf32, #tpu.memory_space<vmem>>, vector<16xf32>,
      %mul3A_44 = arith.mulf %get3A_40, %get3A_43 : vector<16xf32>
      %get3A_45 = arith.index_cast %scan3A_36 : i32 to index
      %get3A_46 = arith.constant 16 : index
      %get3A_47 = tpu.vector_load %arg12[%get3A_45, %get3A_46] {strides = array<i32>} : memref<512x64xf32, #tpu.memory_space<vmem>>, vector<16xf32>,
      %get3A_48 = arith.index_cast %scan3A_36 : i32 to index
      %get3A_49 = arith.constant 16 : index
      %get3A_50 = tpu.vector_load %arg13[%get3A_48, %get3A_49] {strides = array<i32>} : memref<512x64xf32, #tpu.memory_space<vmem>>, vector<16xf32>,
      %mul3A_51 = arith.mulf %get3A_47, %get3A_50 : vector<16xf32>
      %get3A_52 = arith.index_cast %scan3A_36 : i32 to index
      %get3A_53 = arith.constant 32 : index
      %get3A_54 = tpu.vector_load %arg12[%get3A_52, %get3A_53] {strides = array<i32>} : memref<512x64xf32, #tpu.memory_space<vmem>>, vector<16xf32>,
      %get3A_55 = arith.index_cast %scan3A_36 : i32 to index
      %get3A_56 = arith.constant 32 : index
      %get3A_57 = tpu.vector_load %arg13[%get3A_55, %get3A_56] {strides = array<i32>} : memref<512x64xf32, #tpu.memory_space<vmem>>, vector<16xf32>,
      %mul3A_58 = arith.mulf %get3A_54, %get3A_57 : vector<16xf32>
      %get3A_59 = arith.index_cast %scan3A_36 : i32 to index
      %get3A_60 = arith.constant 48 : index
      %get3A_61 = tpu.vector_load %arg12[%get3A_59, %get3A_60] {strides = array<i32>} : memref<512x64xf32, #tpu.memory_space<vmem>>, vector<16xf32>,
      %get3A_62 = arith.index_cast %scan3A_36 : i32 to index
      %get3A_63 = arith.constant 48 : index
      %get3A_64 = tpu.vector_load %arg13[%get3A_62, %get3A_63] {strides = array<i32>} : memref<512x64xf32, #tpu.memory_space<vmem>>, vector<16xf32>,
      %mul3A_65 = arith.mulf %get3A_61, %get3A_64 : vector<16xf32>
      %add3A_66 = arith.addf %mul3A_44, %mul3A_51 : vector<16xf32>
      %add3A_67 = arith.addf %mul3A_58, %mul3A_65 : vector<16xf32>
      %add3A_68 = arith.addf %add3A_66, %add3A_67 : vector<16xf32>
      %swap3A = arith.index_cast %scan3A_36 : i32 to index
      %swap3A_69 = arith.constant 0 : index
      %swap3A_70 = tpu.vector_load %arg17[%swap3A, %swap3A_69] {strides = array<i32>} : memref<512x17xf32, #tpu.memory_space<vmem>>, vector<16xf32>,
      tpu.vector_store %arg17[%swap3A, %swap3A_69], %add3A_68 {strides = array<i32>} : memref<512x17xf32, #tpu.memory_space<vmem>>, vector<16xf32>,
      %scan3A_71 = arith.constant 0 : i32
      %scan3A_72 = arith.constant 1 : i32
      %scan3A_73 = arith.addi %scan3A_36, %scan3A_72 : i32
      %get3A_74 = arith.index_cast %scan3A_73 : i32 to index
      %get3A_75 = arith.constant 0 : index
      %get3A_76 = tpu.vector_load %arg12[%get3A_74, %get3A_75] {strides = array<i32>} : memref<512x64xf32, #tpu.memory_space<vmem>>, vector<16xf32>,
      %get3A_77 = arith.index_cast %scan3A_73 : i32 to index
      %get3A_78 = arith.constant 0 : index
      %get3A_79 = tpu.vector_load %arg13[%get3A_77, %get3A_78] {strides = array<i32>} : memref<512x64xf32, #tpu.memory_space<vmem>>, vector<16xf32>,
      %mul3A_80 = arith.mulf %get3A_76, %get3A_79 : vector<16xf32>
      %get3A_81 = arith.index_cast %scan3A_73 : i32 to index
      %get3A_82 = arith.constant 16 : index
      %get3A_83 = tpu.vector_load %arg12[%get3A_81, %get3A_82] {strides = array<i32>} : memref<512x64xf32, #tpu.memory_space<vmem>>, vector<16xf32>,
      %get3A_84 = arith.index_cast %scan3A_73 : i32 to index
      %get3A_85 = arith.constant 16 : index
      %get3A_86 = tpu.vector_load %arg13[%get3A_84, %get3A_85] {strides = array<i32>} : memref<512x64xf32, #tpu.memory_space<vmem>>, vector<16xf32>,
      %mul3A_87 = arith.mulf %get3A_83, %get3A_86 : vector<16xf32>
      %get3A_88 = arith.index_cast %scan3A_73 : i32 to index
      %get3A_89 = arith.constant 32 : index
      %get3A_90 = tpu.vector_load %arg12[%get3A_88, %get3A_89] {strides = array<i32>} : memref<512x64xf32, #tpu.memory_space<vmem>>, vector<16xf32>,
      %get3A_91 = arith.index_cast %scan3A_73 : i32 to index
      %get3A_92 = arith.constant 32 : index
      %get3A_93 = tpu.vector_load %arg13[%get3A_91, %get3A_92] {strides = array<i32>} : memref<512x64xf32, #tpu.memory_space<vmem>>, vector<16xf32>,
      %mul3A_94 = arith.mulf %get3A_90, %get3A_93 : vector<16xf32>
      %get3A_95 = arith.index_cast %scan3A_73 : i32 to index
      %get3A_96 = arith.constant 48 : index
      %get3A_97 = tpu.vector_load %arg12[%get3A_95, %get3A_96] {strides = array<i32>} : memref<512x64xf32, #tpu.memory_space<vmem>>, vector<16xf32>,
      %get3A_98 = arith.index_cast %scan3A_73 : i32 to index
      %get3A_99 = arith.constant 48 : index
      %get3A_100 = tpu.vector_load %arg13[%get3A_98, %get3A_99] {strides = array<i32>} : memref<512x64xf32, #tpu.memory_space<vmem>>, vector<16xf32>,
      %mul3A_101 = arith.mulf %get3A_97, %get3A_100 : vector<16xf32>
      %add3A_102 = arith.addf %mul3A_80, %mul3A_87 : vector<16xf32>
      %add3A_103 = arith.addf %mul3A_94, %mul3A_101 : vector<16xf32>
      %add3A_104 = arith.addf %add3A_102, %add3A_103 : vector<16xf32>
      %swap3A_105 = arith.index_cast %scan3A_73 : i32 to index
      %swap3A_106 = arith.constant 0 : index
      %swap3A_107 = tpu.vector_load %arg17[%swap3A_105, %swap3A_106] {strides = array<i32>} : memref<512x17xf32, #tpu.memory_space<vmem>>, vector<16xf32>,
      tpu.vector_store %arg17[%swap3A_105, %swap3A_106], %add3A_104 {strides = array<i32>} : memref<512x17xf32, #tpu.memory_space<vmem>>, vector<16xf32>,
      %scan3A_108 = arith.constant 0 : i32
      %scan3A_109 = arith.constant 2 : i32
      %scan3A_110 = arith.addi %scan3A_36, %scan3A_109 : i32
      %get3A_111 = arith.index_cast %scan3A_110 : i32 to index
      %get3A_112 = arith.constant 0 : index
      %get3A_113 = tpu.vector_load %arg12[%get3A_111, %get3A_112] {strides = array<i32>} : memref<512x64xf32, #tpu.memory_space<vmem>>, vector<16xf32>,
      %get3A_114 = arith.index_cast %scan3A_110 : i32 to index
      %get3A_115 = arith.constant 0 : index
      %get3A_116 = tpu.vector_load %arg13[%get3A_114, %get3A_115] {strides = array<i32>} : memref<512x64xf32, #tpu.memory_space<vmem>>, vector<16xf32>,
      %mul3A_117 = arith.mulf %get3A_113, %get3A_116 : vector<16xf32>
      %get3A_118 = arith.index_cast %scan3A_110 : i32 to index
      %get3A_119 = arith.constant 16 : index
      %get3A_120 = tpu.vector_load %arg12[%get3A_118, %get3A_119] {strides = array<i32>} : memref<512x64xf32, #tpu.memory_space<vmem>>, vector<16xf32>,
      %get3A_121 = arith.index_cast %scan3A_110 : i32 to index
      %get3A_122 = arith.constant 16 : index
      %get3A_123 = tpu.vector_load %arg13[%get3A_121, %get3A_122] {strides = array<i32>} : memref<512x64xf32, #tpu.memory_space<vmem>>, vector<16xf32>,
      %mul3A_124 = arith.mulf %get3A_120, %get3A_123 : vector<16xf32>
      %get3A_125 = arith.index_cast %scan3A_110 : i32 to index
      %get3A_126 = arith.constant 32 : index
      %get3A_127 = tpu.vector_load %arg12[%get3A_125, %get3A_126] {strides = array<i32>} : memref<512x64xf32, #tpu.memory_space<vmem>>, vector<16xf32>,
      %get3A_128 = arith.index_cast %scan3A_110 : i32 to index
      %get3A_129 = arith.constant 32 : index
      %get3A_130 = tpu.vector_load %arg13[%get3A_128, %get3A_129] {strides = array<i32>} : memref<512x64xf32, #tpu.memory_space<vmem>>, vector<16xf32>,
      %mul3A_131 = arith.mulf %get3A_127, %get3A_130 : vector<16xf32>
      %get3A_132 = arith.index_cast %scan3A_110 : i32 to index
      %get3A_133 = arith.constant 48 : index
      %get3A_134 = tpu.vector_load %arg12[%get3A_132, %get3A_133] {strides = array<i32>} : memref<512x64xf32, #tpu.memory_space<vmem>>, vector<16xf32>,
      %get3A_135 = arith.index_cast %scan3A_110 : i32 to index
      %get3A_136 = arith.constant 48 : index
      %get3A_137 = tpu.vector_load %arg13[%get3A_135, %get3A_136] {strides = array<i32>} : memref<512x64xf32, #tpu.memory_space<vmem>>, vector<16xf32>,
      %mul3A_138 = arith.mulf %get3A_134, %get3A_137 : vector<16xf32>
      %add3A_139 = arith.addf %mul3A_117, %mul3A_124 : vector<16xf32>
      %add3A_140 = arith.addf %mul3A_131, %mul3A_138 : vector<16xf32>
      %add3A_141 = arith.addf %add3A_139, %add3A_140 : vector<16xf32>
      %swap3A_142 = arith.index_cast %scan3A_110 : i32 to index
      %swap3A_143 = arith.constant 0 : index
      %swap3A_144 = tpu.vector_load %arg17[%swap3A_142, %swap3A_143] {strides = array<i32>} : memref<512x17xf32, #tpu.memory_space<vmem>>, vector<16xf32>,
      tpu.vector_store %arg17[%swap3A_142, %swap3A_143], %add3A_141 {strides = array<i32>} : memref<512x17xf32, #tpu.memory_space<vmem>>, vector<16xf32>,
      %scan3A_145 = arith.constant 0 : i32
      %scan3A_146 = arith.constant 3 : i32
      %scan3A_147 = arith.addi %scan3A_36, %scan3A_146 : i32
      %get3A_148 = arith.index_cast %scan3A_147 : i32 to index
      %get3A_149 = arith.constant 0 : index
      %get3A_150 = tpu.vector_load %arg12[%get3A_148, %get3A_149] {strides = array<i32>} : memref<512x64xf32, #tpu.memory_space<vmem>>, vector<16xf32>,
      %get3A_151 = arith.index_cast %scan3A_147 : i32 to index
      %get3A_152 = arith.constant 0 : index
      %get3A_153 = tpu.vector_load %arg13[%get3A_151, %get3A_152] {strides = array<i32>} : memref<512x64xf32, #tpu.memory_space<vmem>>, vector<16xf32>,
      %mul3A_154 = arith.mulf %get3A_150, %get3A_153 : vector<16xf32>
      %get3A_155 = arith.index_cast %scan3A_147 : i32 to index
      %get3A_156 = arith.constant 16 : index
      %get3A_157 = tpu.vector_load %arg12[%get3A_155, %get3A_156] {strides = array<i32>} : memref<512x64xf32, #tpu.memory_space<vmem>>, vector<16xf32>,
      %get3A_158 = arith.index_cast %scan3A_147 : i32 to index
      %get3A_159 = arith.constant 16 : index
      %get3A_160 = tpu.vector_load %arg13[%get3A_158, %get3A_159] {strides = array<i32>} : memref<512x64xf32, #tpu.memory_space<vmem>>, vector<16xf32>,
      %mul3A_161 = arith.mulf %get3A_157, %get3A_160 : vector<16xf32>
      %get3A_162 = arith.index_cast %scan3A_147 : i32 to index
      %get3A_163 = arith.constant 32 : index
      %get3A_164 = tpu.vector_load %arg12[%get3A_162, %get3A_163] {strides = array<i32>} : memref<512x64xf32, #tpu.memory_space<vmem>>, vector<16xf32>,
      %get3A_165 = arith.index_cast %scan3A_147 : i32 to index
      %get3A_166 = arith.constant 32 : index
      %get3A_167 = tpu.vector_load %arg13[%get3A_165, %get3A_166] {strides = array<i32>} : memref<512x64xf32, #tpu.memory_space<vmem>>, vector<16xf32>,
      %mul3A_168 = arith.mulf %get3A_164, %get3A_167 : vector<16xf32>
      %get3A_169 = arith.index_cast %scan3A_147 : i32 to index
      %get3A_170 = arith.constant 48 : index
      %get3A_171 = tpu.vector_load %arg12[%get3A_169, %get3A_170] {strides = array<i32>} : memref<512x64xf32, #tpu.memory_space<vmem>>, vector<16xf32>,
      %get3A_172 = arith.index_cast %scan3A_147 : i32 to index
      %get3A_173 = arith.constant 48 : index
      %get3A_174 = tpu.vector_load %arg13[%get3A_172, %get3A_173] {strides = array<i32>} : memref<512x64xf32, #tpu.memory_space<vmem>>, vector<16xf32>,
      %mul3A_175 = arith.mulf %get3A_171, %get3A_174 : vector<16xf32>
      %add3A_176 = arith.addf %mul3A_154, %mul3A_161 : vector<16xf32>
      %add3A_177 = arith.addf %mul3A_168, %mul3A_175 : vector<16xf32>
      %add3A_178 = arith.addf %add3A_176, %add3A_177 : vector<16xf32>
      %swap3A_179 = arith.index_cast %scan3A_147 : i32 to index
      %swap3A_180 = arith.constant 0 : index
      %swap3A_181 = tpu.vector_load %arg17[%swap3A_179, %swap3A_180] {strides = array<i32>} : memref<512x17xf32, #tpu.memory_space<vmem>>, vector<16xf32>,
      tpu.vector_store %arg17[%swap3A_179, %swap3A_180], %add3A_178 {strides = array<i32>} : memref<512x17xf32, #tpu.memory_space<vmem>>, vector<16xf32>,
      %scan3A_182 = arith.constant 0 : i32
      %scan3A_183 = arith.constant 4 : i32
      %scan3A_184 = arith.addi %scan3A_36, %scan3A_183 : i32
      %get3A_185 = arith.index_cast %scan3A_184 : i32 to index
      %get3A_186 = arith.constant 0 : index
      %get3A_187 = tpu.vector_load %arg12[%get3A_185, %get3A_186] {strides = array<i32>} : memref<512x64xf32, #tpu.memory_space<vmem>>, vector<16xf32>,
      %get3A_188 = arith.index_cast %scan3A_184 : i32 to index
      %get3A_189 = arith.constant 0 : index
      %get3A_190 = tpu.vector_load %arg13[%get3A_188, %get3A_189] {strides = array<i32>} : memref<512x64xf32, #tpu.memory_space<vmem>>, vector<16xf32>,
      %mul3A_191 = arith.mulf %get3A_187, %get3A_190 : vector<16xf32>
      %get3A_192 = arith.index_cast %scan3A_184 : i32 to index
      %get3A_193 = arith.constant 16 : index
      %get3A_194 = tpu.vector_load %arg12[%get3A_192, %get3A_193] {strides = array<i32>} : memref<512x64xf32, #tpu.memory_space<vmem>>, vector<16xf32>,
      %get3A_195 = arith.index_cast %scan3A_184 : i32 to index
      %get3A_196 = arith.constant 16 : index
      %get3A_197 = tpu.vector_load %arg13[%get3A_195, %get3A_196] {strides = array<i32>} : memref<512x64xf32, #tpu.memory_space<vmem>>, vector<16xf32>,
      %mul3A_198 = arith.mulf %get3A_194, %get3A_197 : vector<16xf32>
      %get3A_199 = arith.index_cast %scan3A_184 : i32 to index
      %get3A_200 = arith.constant 32 : index
      %get3A_201 = tpu.vector_load %arg12[%get3A_199, %get3A_200] {strides = array<i32>} : memref<512x64xf32, #tpu.memory_space<vmem>>, vector<16xf32>,
      %get3A_202 = arith.index_cast %scan3A_184 : i32 to index
      %get3A_203 = arith.constant 32 : index
      %get3A_204 = tpu.vector_load %arg13[%get3A_202, %get3A_203] {strides = array<i32>} : memref<512x64xf32, #tpu.memory_space<vmem>>, vector<16xf32>,
      %mul3A_205 = arith.mulf %get3A_201, %get3A_204 : vector<16xf32>
      %get3A_206 = arith.index_cast %scan3A_184 : i32 to index
      %get3A_207 = arith.constant 48 : index
      %get3A_208 = tpu.vector_load %arg12[%get3A_206, %get3A_207] {strides = array<i32>} : memref<512x64xf32, #tpu.memory_space<vmem>>, vector<16xf32>,
      %get3A_209 = arith.index_cast %scan3A_184 : i32 to index
      %get3A_210 = arith.constant 48 : index
      %get3A_211 = tpu.vector_load %arg13[%get3A_209, %get3A_210] {strides = array<i32>} : memref<512x64xf32, #tpu.memory_space<vmem>>, vector<16xf32>,
      %mul3A_212 = arith.mulf %get3A_208, %get3A_211 : vector<16xf32>
      %add3A_213 = arith.addf %mul3A_191, %mul3A_198 : vector<16xf32>
      %add3A_214 = arith.addf %mul3A_205, %mul3A_212 : vector<16xf32>
      %add3A_215 = arith.addf %add3A_213, %add3A_214 : vector<16xf32>
      %swap3A_216 = arith.index_cast %scan3A_184 : i32 to index
      %swap3A_217 = arith.constant 0 : index
      %swap3A_218 = tpu.vector_load %arg17[%swap3A_216, %swap3A_217] {strides = array<i32>} : memref<512x17xf32, #tpu.memory_space<vmem>>, vector<16xf32>,
      tpu.vector_store %arg17[%swap3A_216, %swap3A_217], %add3A_215 {strides = array<i32>} : memref<512x17xf32, #tpu.memory_space<vmem>>, vector<16xf32>,
      %scan3A_219 = arith.constant 0 : i32
      %scan3A_220 = arith.constant 5 : i32
      %scan3A_221 = arith.addi %scan3A_36, %scan3A_220 : i32
      %get3A_222 = arith.index_cast %scan3A_221 : i32 to index
      %get3A_223 = arith.constant 0 : index
      %get3A_224 = tpu.vector_load %arg12[%get3A_222, %get3A_223] {strides = array<i32>} : memref<512x64xf32, #tpu.memory_space<vmem>>, vector<16xf32>,
      %get3A_225 = arith.index_cast %scan3A_221 : i32 to index
      %get3A_226 = arith.constant 0 : index
      %get3A_227 = tpu.vector_load %arg13[%get3A_225, %get3A_226] {strides = array<i32>} : memref<512x64xf32, #tpu.memory_space<vmem>>, vector<16xf32>,
      %mul3A_228 = arith.mulf %get3A_224, %get3A_227 : vector<16xf32>
      %get3A_229 = arith.index_cast %scan3A_221 : i32 to index
      %get3A_230 = arith.constant 16 : index
      %get3A_231 = tpu.vector_load %arg12[%get3A_229, %get3A_230] {strides = array<i32>} : memref<512x64xf32, #tpu.memory_space<vmem>>, vector<16xf32>,
      %get3A_232 = arith.index_cast %scan3A_221 : i32 to index
      %get3A_233 = arith.constant 16 : index
      %get3A_234 = tpu.vector_load %arg13[%get3A_232, %get3A_233] {strides = array<i32>} : memref<512x64xf32, #tpu.memory_space<vmem>>, vector<16xf32>,
      %mul3A_235 = arith.mulf %get3A_231, %get3A_234 : vector<16xf32>
      %get3A_236 = arith.index_cast %scan3A_221 : i32 to index
      %get3A_237 = arith.constant 32 : index
      %get3A_238 = tpu.vector_load %arg12[%get3A_236, %get3A_237] {strides = array<i32>} : memref<512x64xf32, #tpu.memory_space<vmem>>, vector<16xf32>,
      %get3A_239 = arith.index_cast %scan3A_221 : i32 to index
      %get3A_240 = arith.constant 32 : index
      %get3A_241 = tpu.vector_load %arg13[%get3A_239, %get3A_240] {strides = array<i32>} : memref<512x64xf32, #tpu.memory_space<vmem>>, vector<16xf32>,
      %mul3A_242 = arith.mulf %get3A_238, %get3A_241 : vector<16xf32>
      %get3A_243 = arith.index_cast %scan3A_221 : i32 to index
      %get3A_244 = arith.constant 48 : index
      %get3A_245 = tpu.vector_load %arg12[%get3A_243, %get3A_244] {strides = array<i32>} : memref<512x64xf32, #tpu.memory_space<vmem>>, vector<16xf32>,
      %get3A_246 = arith.index_cast %scan3A_221 : i32 to index
      %get3A_247 = arith.constant 48 : index
      %get3A_248 = tpu.vector_load %arg13[%get3A_246, %get3A_247] {strides = array<i32>} : memref<512x64xf32, #tpu.memory_space<vmem>>, vector<16xf32>,
      %mul3A_249 = arith.mulf %get3A_245, %get3A_248 : vector<16xf32>
      %add3A_250 = arith.addf %mul3A_228, %mul3A_235 : vector<16xf32>
      %add3A_251 = arith.addf %mul3A_242, %mul3A_249 : vector<16xf32>
      %add3A_252 = arith.addf %add3A_250, %add3A_251 : vector<16xf32>
      %swap3A_253 = arith.index_cast %scan3A_221 : i32 to index
      %swap3A_254 = arith.constant 0 : index
      %swap3A_255 = tpu.vector_load %arg17[%swap3A_253, %swap3A_254] {strides = array<i32>} : memref<512x17xf32, #tpu.memory_space<vmem>>, vector<16xf32>,
      tpu.vector_store %arg17[%swap3A_253, %swap3A_254], %add3A_252 {strides = array<i32>} : memref<512x17xf32, #tpu.memory_space<vmem>>, vector<16xf32>,
      %scan3A_256 = arith.constant 0 : i32
      %scan3A_257 = arith.constant 6 : i32
      %scan3A_258 = arith.addi %scan3A_36, %scan3A_257 : i32
      %get3A_259 = arith.index_cast %scan3A_258 : i32 to index
      %get3A_260 = arith.constant 0 : index
      %get3A_261 = tpu.vector_load %arg12[%get3A_259, %get3A_260] {strides = array<i32>} : memref<512x64xf32, #tpu.memory_space<vmem>>, vector<16xf32>,
      %get3A_262 = arith.index_cast %scan3A_258 : i32 to index
      %get3A_263 = arith.constant 0 : index
      %get3A_264 = tpu.vector_load %arg13[%get3A_262, %get3A_263] {strides = array<i32>} : memref<512x64xf32, #tpu.memory_space<vmem>>, vector<16xf32>,
      %mul3A_265 = arith.mulf %get3A_261, %get3A_264 : vector<16xf32>
      %get3A_266 = arith.index_cast %scan3A_258 : i32 to index
      %get3A_267 = arith.constant 16 : index
      %get3A_268 = tpu.vector_load %arg12[%get3A_266, %get3A_267] {strides = array<i32>} : memref<512x64xf32, #tpu.memory_space<vmem>>, vector<16xf32>,
      %get3A_269 = arith.index_cast %scan3A_258 : i32 to index
      %get3A_270 = arith.constant 16 : index
      %get3A_271 = tpu.vector_load %arg13[%get3A_269, %get3A_270] {strides = array<i32>} : memref<512x64xf32, #tpu.memory_space<vmem>>, vector<16xf32>,
      %mul3A_272 = arith.mulf %get3A_268, %get3A_271 : vector<16xf32>
      %get3A_273 = arith.index_cast %scan3A_258 : i32 to index
      %get3A_274 = arith.constant 32 : index
      %get3A_275 = tpu.vector_load %arg12[%get3A_273, %get3A_274] {strides = array<i32>} : memref<512x64xf32, #tpu.memory_space<vmem>>, vector<16xf32>,
      %get3A_276 = arith.index_cast %scan3A_258 : i32 to index
      %get3A_277 = arith.constant 32 : index
      %get3A_278 = tpu.vector_load %arg13[%get3A_276, %get3A_277] {strides = array<i32>} : memref<512x64xf32, #tpu.memory_space<vmem>>, vector<16xf32>,
      %mul3A_279 = arith.mulf %get3A_275, %get3A_278 : vector<16xf32>
      %get3A_280 = arith.index_cast %scan3A_258 : i32 to index
      %get3A_281 = arith.constant 48 : index
      %get3A_282 = tpu.vector_load %arg12[%get3A_280, %get3A_281] {strides = array<i32>} : memref<512x64xf32, #tpu.memory_space<vmem>>, vector<16xf32>,
      %get3A_283 = arith.index_cast %scan3A_258 : i32 to index
      %get3A_284 = arith.constant 48 : index
      %get3A_285 = tpu.vector_load %arg13[%get3A_283, %get3A_284] {strides = array<i32>} : memref<512x64xf32, #tpu.memory_space<vmem>>, vector<16xf32>,
      %mul3A_286 = arith.mulf %get3A_282, %get3A_285 : vector<16xf32>
      %add3A_287 = arith.addf %mul3A_265, %mul3A_272 : vector<16xf32>
      %add3A_288 = arith.addf %mul3A_279, %mul3A_286 : vector<16xf32>
      %add3A_289 = arith.addf %add3A_287, %add3A_288 : vector<16xf32>
      %swap3A_290 = arith.index_cast %scan3A_258 : i32 to index
      %swap3A_291 = arith.constant 0 : index
      %swap3A_292 = tpu.vector_load %arg17[%swap3A_290, %swap3A_291] {strides = array<i32>} : memref<512x17xf32, #tpu.memory_space<vmem>>, vector<16xf32>,
      tpu.vector_store %arg17[%swap3A_290, %swap3A_291], %add3A_289 {strides = array<i32>} : memref<512x17xf32, #tpu.memory_space<vmem>>, vector<16xf32>,
      %scan3A_293 = arith.constant 0 : i32
      %scan3A_294 = arith.constant 7 : i32
      %scan3A_295 = arith.addi %scan3A_36, %scan3A_294 : i32
      %get3A_296 = arith.index_cast %scan3A_295 : i32 to index
      %get3A_297 = arith.constant 0 : index
      %get3A_298 = tpu.vector_load %arg12[%get3A_296, %get3A_297] {strides = array<i32>} : memref<512x64xf32, #tpu.memory_space<vmem>>, vector<16xf32>,
      %get3A_299 = arith.index_cast %scan3A_295 : i32 to index
      %get3A_300 = arith.constant 0 : index
      %get3A_301 = tpu.vector_load %arg13[%get3A_299, %get3A_300] {strides = array<i32>} : memref<512x64xf32, #tpu.memory_space<vmem>>, vector<16xf32>,
      %mul3A_302 = arith.mulf %get3A_298, %get3A_301 : vector<16xf32>
      %get3A_303 = arith.index_cast %scan3A_295 : i32 to index
      %get3A_304 = arith.constant 16 : index
      %get3A_305 = tpu.vector_load %arg12[%get3A_303, %get3A_304] {strides = array<i32>} : memref<512x64xf32, #tpu.memory_space<vmem>>, vector<16xf32>,
      %get3A_306 = arith.index_cast %scan3A_295 : i32 to index
      %get3A_307 = arith.constant 16 : index
      %get3A_308 = tpu.vector_load %arg13[%get3A_306, %get3A_307] {strides = array<i32>} : memref<512x64xf32, #tpu.memory_space<vmem>>, vector<16xf32>,
      %mul3A_309 = arith.mulf %get3A_305, %get3A_308 : vector<16xf32>
      %get3A_310 = arith.index_cast %scan3A_295 : i32 to index
      %get3A_311 = arith.constant 32 : index
      %get3A_312 = tpu.vector_load %arg12[%get3A_310, %get3A_311] {strides = array<i32>} : memref<512x64xf32, #tpu.memory_space<vmem>>, vector<16xf32>,
      %get3A_313 = arith.index_cast %scan3A_295 : i32 to index
      %get3A_314 = arith.constant 32 : index
      %get3A_315 = tpu.vector_load %arg13[%get3A_313, %get3A_314] {strides = array<i32>} : memref<512x64xf32, #tpu.memory_space<vmem>>, vector<16xf32>,
      %mul3A_316 = arith.mulf %get3A_312, %get3A_315 : vector<16xf32>
      %get3A_317 = arith.index_cast %scan3A_295 : i32 to index
      %get3A_318 = arith.constant 48 : index
      %get3A_319 = tpu.vector_load %arg12[%get3A_317, %get3A_318] {strides = array<i32>} : memref<512x64xf32, #tpu.memory_space<vmem>>, vector<16xf32>,
      %get3A_320 = arith.index_cast %scan3A_295 : i32 to index
      %get3A_321 = arith.constant 48 : index
      %get3A_322 = tpu.vector_load %arg13[%get3A_320, %get3A_321] {strides = array<i32>} : memref<512x64xf32, #tpu.memory_space<vmem>>, vector<16xf32>,
      %mul3A_323 = arith.mulf %get3A_319, %get3A_322 : vector<16xf32>
      %add3A_324 = arith.addf %mul3A_302, %mul3A_309 : vector<16xf32>
      %add3A_325 = arith.addf %mul3A_316, %mul3A_323 : vector<16xf32>
      %add3A_326 = arith.addf %add3A_324, %add3A_325 : vector<16xf32>
      %swap3A_327 = arith.index_cast %scan3A_295 : i32 to index
      %swap3A_328 = arith.constant 0 : index
      %swap3A_329 = tpu.vector_load %arg17[%swap3A_327, %swap3A_328] {strides = array<i32>} : memref<512x17xf32, #tpu.memory_space<vmem>>, vector<16xf32>,
      tpu.vector_store %arg17[%swap3A_327, %swap3A_328], %add3A_326 {strides = array<i32>} : memref<512x17xf32, #tpu.memory_space<vmem>>, vector<16xf32>,
      %scan3A_330 = arith.constant 0 : i32
      scf.yield %scan3A_330 : i32
    }
    %scan3A_27 = arith.constant 512 : i32
    %get3A = arith.constant 0 : index
    %get3A_28 = tpu.vector_load %arg16[%get3A] {strides = array<i32>} : memref<16xf32, #tpu.memory_space<vmem>>, vector<16xf32>,
    %slice3A = vector.extract_strided_slice %get3A_28 {offsets = [0], sizes = [1], strides = [1]} : vector<16xf32> to vector<1xf32>
    %squeeze3A = vector.extract %slice3A[0] : f32 from vector<1xf32>
    %scan3A_29 = arith.constant 0 : i32
    %scan3A_30 = arith.constant 0 : i32
    %scan3A_31 = arith.constant 32 : i32
    %scan3A_32 = arith.addi %scan3A_30, %scan3A_31 : i32
    %scan3A_33 = arith.constant 2 : i32
    %scan3A_34 = scf.for %scan3A_36 = %scan3A_30 to %scan3A_32 step %scan3A_33 iter_args(%scan3A_37 = %scan3A_29) -> (i32)  : i32 {
      %mul3A_38 = arith.constant 16 : i32
      %mul3A_39 = arith.muli %scan3A_36, %mul3A_38 : i32
      %add3A_40 = vector.broadcast %mul3A_39 : i32 to vector<16xi32>
      %add3A_41 = arith.addi %add3A_40, %iota3A : vector<16xi32>
      %get3A_42 = arith.index_cast %mul3A_39 : i32 to index
      %get3A_43 = tpu.vector_load %arg14[%get3A_42] {strides = array<i32>} : memref<512xf32, #tpu.memory_space<vmem>>, vector<16xf32>,
      %get3A_44 = arith.index_cast %mul3A_39 : i32 to index
      %get3A_45 = tpu.vector_load %arg15[%get3A_44] {strides = array<i32>} : memref<512xf32, #tpu.memory_space<vmem>>, vector<16xf32>,
      %gather3A = tpu.vector_load_idx %arg17[%add3A_41, %broadcast_in_dim3A_3] : memref<512x17xf32, #tpu.memory_space<vmem>>[vector<16xi32>, vector<16xi32>], vector<16xf32>,
      %add3A_46 = vector.broadcast %squeeze3A : f32 to vector<16xf32>
      %add3A_47 = arith.addf %add3A_46, %gather3A : vector<16xf32>
      %add3A_48 = arith.constant 1 : i32
      %add3A_49 = vector.broadcast %add3A_48 : i32 to vector<16xi32>
      %add3A_50 = arith.addi %broadcast_in_dim3A_3, %add3A_49 : vector<16xi32>
      %gather3A_51 = tpu.vector_load_idx %arg17[%add3A_41, %add3A_50] : memref<512x17xf32, #tpu.memory_space<vmem>>[vector<16xi32>, vector<16xi32>], vector<16xf32>,
      %add3A_52 = arith.constant 2 : i32
      %add3A_53 = vector.broadcast %add3A_52 : i32 to vector<16xi32>
      %add3A_54 = arith.addi %broadcast_in_dim3A_3, %add3A_53 : vector<16xi32>
      %gather3A_55 = tpu.vector_load_idx %arg17[%add3A_41, %add3A_54] : memref<512x17xf32, #tpu.memory_space<vmem>>[vector<16xi32>, vector<16xi32>], vector<16xf32>,
      %add3A_56 = arith.addf %add3A_47, %gather3A_55 : vector<16xf32>
      %add3A_57 = arith.constant 3 : i32
      %add3A_58 = vector.broadcast %add3A_57 : i32 to vector<16xi32>
      %add3A_59 = arith.addi %broadcast_in_dim3A_3, %add3A_58 : vector<16xi32>
      %gather3A_60 = tpu.vector_load_idx %arg17[%add3A_41, %add3A_59] : memref<512x17xf32, #tpu.memory_space<vmem>>[vector<16xi32>, vector<16xi32>], vector<16xf32>,
      %add3A_61 = arith.addf %gather3A_51, %gather3A_60 : vector<16xf32>
      %add3A_62 = arith.constant 4 : i32
      %add3A_63 = vector.broadcast %add3A_62 : i32 to vector<16xi32>
      %add3A_64 = arith.addi %broadcast_in_dim3A_3, %add3A_63 : vector<16xi32>
      %gather3A_65 = tpu.vector_load_idx %arg17[%add3A_41, %add3A_64] : memref<512x17xf32, #tpu.memory_space<vmem>>[vector<16xi32>, vector<16xi32>], vector<16xf32>,
      %add3A_66 = arith.addf %add3A_56, %gather3A_65 : vector<16xf32>
      %add3A_67 = arith.constant 5 : i32
      %add3A_68 = vector.broadcast %add3A_67 : i32 to vector<16xi32>
      %add3A_69 = arith.addi %broadcast_in_dim3A_3, %add3A_68 : vector<16xi32>
      %gather3A_70 = tpu.vector_load_idx %arg17[%add3A_41, %add3A_69] : memref<512x17xf32, #tpu.memory_space<vmem>>[vector<16xi32>, vector<16xi32>], vector<16xf32>,
      %add3A_71 = arith.addf %add3A_61, %gather3A_70 : vector<16xf32>
      %add3A_72 = arith.constant 6 : i32
      %add3A_73 = vector.broadcast %add3A_72 : i32 to vector<16xi32>
      %add3A_74 = arith.addi %broadcast_in_dim3A_3, %add3A_73 : vector<16xi32>
      %gather3A_75 = tpu.vector_load_idx %arg17[%add3A_41, %add3A_74] : memref<512x17xf32, #tpu.memory_space<vmem>>[vector<16xi32>, vector<16xi32>], vector<16xf32>,
      %add3A_76 = arith.addf %add3A_66, %gather3A_75 : vector<16xf32>
      %add3A_77 = arith.constant 7 : i32
      %add3A_78 = vector.broadcast %add3A_77 : i32 to vector<16xi32>
      %add3A_79 = arith.addi %broadcast_in_dim3A_3, %add3A_78 : vector<16xi32>
      %gather3A_80 = tpu.vector_load_idx %arg17[%add3A_41, %add3A_79] : memref<512x17xf32, #tpu.memory_space<vmem>>[vector<16xi32>, vector<16xi32>], vector<16xf32>,
      %add3A_81 = arith.addf %add3A_71, %gather3A_80 : vector<16xf32>
      %add3A_82 = arith.constant 8 : i32
      %add3A_83 = vector.broadcast %add3A_82 : i32 to vector<16xi32>
      %add3A_84 = arith.addi %broadcast_in_dim3A_3, %add3A_83 : vector<16xi32>
      %gather3A_85 = tpu.vector_load_idx %arg17[%add3A_41, %add3A_84] : memref<512x17xf32, #tpu.memory_space<vmem>>[vector<16xi32>, vector<16xi32>], vector<16xf32>,
      %add3A_86 = arith.addf %add3A_76, %gather3A_85 : vector<16xf32>
      %add3A_87 = arith.constant 9 : i32
      %add3A_88 = vector.broadcast %add3A_87 : i32 to vector<16xi32>
      %add3A_89 = arith.addi %broadcast_in_dim3A_3, %add3A_88 : vector<16xi32>
      %gather3A_90 = tpu.vector_load_idx %arg17[%add3A_41, %add3A_89] : memref<512x17xf32, #tpu.memory_space<vmem>>[vector<16xi32>, vector<16xi32>], vector<16xf32>,
      %add3A_91 = arith.addf %add3A_81, %gather3A_90 : vector<16xf32>
      %add3A_92 = arith.constant 10 : i32
      %add3A_93 = vector.broadcast %add3A_92 : i32 to vector<16xi32>
      %add3A_94 = arith.addi %broadcast_in_dim3A_3, %add3A_93 : vector<16xi32>
      %gather3A_95 = tpu.vector_load_idx %arg17[%add3A_41, %add3A_94] : memref<512x17xf32, #tpu.memory_space<vmem>>[vector<16xi32>, vector<16xi32>], vector<16xf32>,
      %add3A_96 = arith.addf %add3A_86, %gather3A_95 : vector<16xf32>
      %add3A_97 = arith.constant 11 : i32
      %add3A_98 = vector.broadcast %add3A_97 : i32 to vector<16xi32>
      %add3A_99 = arith.addi %broadcast_in_dim3A_3, %add3A_98 : vector<16xi32>
      %gather3A_100 = tpu.vector_load_idx %arg17[%add3A_41, %add3A_99] : memref<512x17xf32, #tpu.memory_space<vmem>>[vector<16xi32>, vector<16xi32>], vector<16xf32>,
      %add3A_101 = arith.addf %add3A_91, %gather3A_100 : vector<16xf32>
      %add3A_102 = arith.constant 12 : i32
      %add3A_103 = vector.broadcast %add3A_102 : i32 to vector<16xi32>
      %add3A_104 = arith.addi %broadcast_in_dim3A_3, %add3A_103 : vector<16xi32>
      %gather3A_105 = tpu.vector_load_idx %arg17[%add3A_41, %add3A_104] : memref<512x17xf32, #tpu.memory_space<vmem>>[vector<16xi32>, vector<16xi32>], vector<16xf32>,
      %add3A_106 = arith.addf %add3A_96, %gather3A_105 : vector<16xf32>
      %add3A_107 = arith.constant 13 : i32
      %add3A_108 = vector.broadcast %add3A_107 : i32 to vector<16xi32>
      %add3A_109 = arith.addi %broadcast_in_dim3A_3, %add3A_108 : vector<16xi32>
      %gather3A_110 = tpu.vector_load_idx %arg17[%add3A_41, %add3A_109] : memref<512x17xf32, #tpu.memory_space<vmem>>[vector<16xi32>, vector<16xi32>], vector<16xf32>,
      %add3A_111 = arith.addf %add3A_101, %gather3A_110 : vector<16xf32>
      %add3A_112 = arith.constant 14 : i32
      %add3A_113 = vector.broadcast %add3A_112 : i32 to vector<16xi32>
      %add3A_114 = arith.addi %broadcast_in_dim3A_3, %add3A_113 : vector<16xi32>
      %gather3A_115 = tpu.vector_load_idx %arg17[%add3A_41, %add3A_114] : memref<512x17xf32, #tpu.memory_space<vmem>>[vector<16xi32>, vector<16xi32>], vector<16xf32>,
      %add3A_116 = arith.addf %add3A_106, %gather3A_115 : vector<16xf32>
      %add3A_117 = arith.constant 15 : i32
      %add3A_118 = vector.broadcast %add3A_117 : i32 to vector<16xi32>
      %add3A_119 = arith.addi %broadcast_in_dim3A_3, %add3A_118 : vector<16xi32>
      %gather3A_120 = tpu.vector_load_idx %arg17[%add3A_41, %add3A_119] : memref<512x17xf32, #tpu.memory_space<vmem>>[vector<16xi32>, vector<16xi32>], vector<16xf32>,
      %add3A_121 = arith.addf %add3A_111, %gather3A_120 : vector<16xf32>
      %add3A_122 = arith.addf %get3A_43, %get3A_45 : vector<16xf32>
      %add3A_123 = arith.addf %add3A_116, %add3A_121 : vector<16xf32>
      %add3A_124 = arith.addf %add3A_122, %add3A_123 : vector<16xf32>
      %swap3A = arith.index_cast %mul3A_39 : i32 to index
      %swap3A_125 = tpu.vector_load %arg18[%swap3A] {strides = array<i32>} : memref<512xf32, #tpu.memory_space<vmem>>, vector<16xf32>,
      tpu.vector_store %arg18[%swap3A], %add3A_124 {strides = array<i32>} : memref<512xf32, #tpu.memory_space<vmem>>, vector<16xf32>,
      %scan3A_126 = arith.constant 0 : i32
      %scan3A_127 = arith.constant 1 : i32
      %scan3A_128 = arith.addi %scan3A_36, %scan3A_127 : i32
      %mul3A_129 = arith.constant 16 : i32
      %mul3A_130 = arith.muli %scan3A_128, %mul3A_129 : i32
      %add3A_131 = vector.broadcast %mul3A_130 : i32 to vector<16xi32>
      %add3A_132 = arith.addi %add3A_131, %iota3A : vector<16xi32>
      %get3A_133 = arith.index_cast %mul3A_130 : i32 to index
      %get3A_134 = tpu.vector_load %arg14[%get3A_133] {strides = array<i32>} : memref<512xf32, #tpu.memory_space<vmem>>, vector<16xf32>,
      %get3A_135 = arith.index_cast %mul3A_130 : i32 to index
      %get3A_136 = tpu.vector_load %arg15[%get3A_135] {strides = array<i32>} : memref<512xf32, #tpu.memory_space<vmem>>, vector<16xf32>,
      %gather3A_137 = tpu.vector_load_idx %arg17[%add3A_132, %broadcast_in_dim3A_3] : memref<512x17xf32, #tpu.memory_space<vmem>>[vector<16xi32>, vector<16xi32>], vector<16xf32>,
      %add3A_138 = vector.broadcast %squeeze3A : f32 to vector<16xf32>
      %add3A_139 = arith.addf %add3A_138, %gather3A_137 : vector<16xf32>
      %add3A_140 = arith.constant 1 : i32
      %add3A_141 = vector.broadcast %add3A_140 : i32 to vector<16xi32>
      %add3A_142 = arith.addi %broadcast_in_dim3A_3, %add3A_141 : vector<16xi32>
      %gather3A_143 = tpu.vector_load_idx %arg17[%add3A_132, %add3A_142] : memref<512x17xf32, #tpu.memory_space<vmem>>[vector<16xi32>, vector<16xi32>], vector<16xf32>,
      %add3A_144 = arith.constant 2 : i32
      %add3A_145 = vector.broadcast %add3A_144 : i32 to vector<16xi32>
      %add3A_146 = arith.addi %broadcast_in_dim3A_3, %add3A_145 : vector<16xi32>
      %gather3A_147 = tpu.vector_load_idx %arg17[%add3A_132, %add3A_146] : memref<512x17xf32, #tpu.memory_space<vmem>>[vector<16xi32>, vector<16xi32>], vector<16xf32>,
      %add3A_148 = arith.addf %add3A_139, %gather3A_147 : vector<16xf32>
      %add3A_149 = arith.constant 3 : i32
      %add3A_150 = vector.broadcast %add3A_149 : i32 to vector<16xi32>
      %add3A_151 = arith.addi %broadcast_in_dim3A_3, %add3A_150 : vector<16xi32>
      %gather3A_152 = tpu.vector_load_idx %arg17[%add3A_132, %add3A_151] : memref<512x17xf32, #tpu.memory_space<vmem>>[vector<16xi32>, vector<16xi32>], vector<16xf32>,
      %add3A_153 = arith.addf %gather3A_143, %gather3A_152 : vector<16xf32>
      %add3A_154 = arith.constant 4 : i32
      %add3A_155 = vector.broadcast %add3A_154 : i32 to vector<16xi32>
      %add3A_156 = arith.addi %broadcast_in_dim3A_3, %add3A_155 : vector<16xi32>
      %gather3A_157 = tpu.vector_load_idx %arg17[%add3A_132, %add3A_156] : memref<512x17xf32, #tpu.memory_space<vmem>>[vector<16xi32>, vector<16xi32>], vector<16xf32>,
      %add3A_158 = arith.addf %add3A_148, %gather3A_157 : vector<16xf32>
      %add3A_159 = arith.constant 5 : i32
      %add3A_160 = vector.broadcast %add3A_159 : i32 to vector<16xi32>
      %add3A_161 = arith.addi %broadcast_in_dim3A_3, %add3A_160 : vector<16xi32>
      %gather3A_162 = tpu.vector_load_idx %arg17[%add3A_132, %add3A_161] : memref<512x17xf32, #tpu.memory_space<vmem>>[vector<16xi32>, vector<16xi32>], vector<16xf32>,
      %add3A_163 = arith.addf %add3A_153, %gather3A_162 : vector<16xf32>
      %add3A_164 = arith.constant 6 : i32
      %add3A_165 = vector.broadcast %add3A_164 : i32 to vector<16xi32>
      %add3A_166 = arith.addi %broadcast_in_dim3A_3, %add3A_165 : vector<16xi32>
      %gather3A_167 = tpu.vector_load_idx %arg17[%add3A_132, %add3A_166] : memref<512x17xf32, #tpu.memory_space<vmem>>[vector<16xi32>, vector<16xi32>], vector<16xf32>,
      %add3A_168 = arith.addf %add3A_158, %gather3A_167 : vector<16xf32>
      %add3A_169 = arith.constant 7 : i32
      %add3A_170 = vector.broadcast %add3A_169 : i32 to vector<16xi32>
      %add3A_171 = arith.addi %broadcast_in_dim3A_3, %add3A_170 : vector<16xi32>
      %gather3A_172 = tpu.vector_load_idx %arg17[%add3A_132, %add3A_171] : memref<512x17xf32, #tpu.memory_space<vmem>>[vector<16xi32>, vector<16xi32>], vector<16xf32>,
      %add3A_173 = arith.addf %add3A_163, %gather3A_172 : vector<16xf32>
      %add3A_174 = arith.constant 8 : i32
      %add3A_175 = vector.broadcast %add3A_174 : i32 to vector<16xi32>
      %add3A_176 = arith.addi %broadcast_in_dim3A_3, %add3A_175 : vector<16xi32>
      %gather3A_177 = tpu.vector_load_idx %arg17[%add3A_132, %add3A_176] : memref<512x17xf32, #tpu.memory_space<vmem>>[vector<16xi32>, vector<16xi32>], vector<16xf32>,
      %add3A_178 = arith.addf %add3A_168, %gather3A_177 : vector<16xf32>
      %add3A_179 = arith.constant 9 : i32
      %add3A_180 = vector.broadcast %add3A_179 : i32 to vector<16xi32>
      %add3A_181 = arith.addi %broadcast_in_dim3A_3, %add3A_180 : vector<16xi32>
      %gather3A_182 = tpu.vector_load_idx %arg17[%add3A_132, %add3A_181] : memref<512x17xf32, #tpu.memory_space<vmem>>[vector<16xi32>, vector<16xi32>], vector<16xf32>,
      %add3A_183 = arith.addf %add3A_173, %gather3A_182 : vector<16xf32>
      %add3A_184 = arith.constant 10 : i32
      %add3A_185 = vector.broadcast %add3A_184 : i32 to vector<16xi32>
      %add3A_186 = arith.addi %broadcast_in_dim3A_3, %add3A_185 : vector<16xi32>
      %gather3A_187 = tpu.vector_load_idx %arg17[%add3A_132, %add3A_186] : memref<512x17xf32, #tpu.memory_space<vmem>>[vector<16xi32>, vector<16xi32>], vector<16xf32>,
      %add3A_188 = arith.addf %add3A_178, %gather3A_187 : vector<16xf32>
      %add3A_189 = arith.constant 11 : i32
      %add3A_190 = vector.broadcast %add3A_189 : i32 to vector<16xi32>
      %add3A_191 = arith.addi %broadcast_in_dim3A_3, %add3A_190 : vector<16xi32>
      %gather3A_192 = tpu.vector_load_idx %arg17[%add3A_132, %add3A_191] : memref<512x17xf32, #tpu.memory_space<vmem>>[vector<16xi32>, vector<16xi32>], vector<16xf32>,
      %add3A_193 = arith.addf %add3A_183, %gather3A_192 : vector<16xf32>
      %add3A_194 = arith.constant 12 : i32
      %add3A_195 = vector.broadcast %add3A_194 : i32 to vector<16xi32>
      %add3A_196 = arith.addi %broadcast_in_dim3A_3, %add3A_195 : vector<16xi32>
      %gather3A_197 = tpu.vector_load_idx %arg17[%add3A_132, %add3A_196] : memref<512x17xf32, #tpu.memory_space<vmem>>[vector<16xi32>, vector<16xi32>], vector<16xf32>,
      %add3A_198 = arith.addf %add3A_188, %gather3A_197 : vector<16xf32>
      %add3A_199 = arith.constant 13 : i32
      %add3A_200 = vector.broadcast %add3A_199 : i32 to vector<16xi32>
      %add3A_201 = arith.addi %broadcast_in_dim3A_3, %add3A_200 : vector<16xi32>
      %gather3A_202 = tpu.vector_load_idx %arg17[%add3A_132, %add3A_201] : memref<512x17xf32, #tpu.memory_space<vmem>>[vector<16xi32>, vector<16xi32>], vector<16xf32>,
      %add3A_203 = arith.addf %add3A_193, %gather3A_202 : vector<16xf32>
      %add3A_204 = arith.constant 14 : i32
      %add3A_205 = vector.broadcast %add3A_204 : i32 to vector<16xi32>
      %add3A_206 = arith.addi %broadcast_in_dim3A_3, %add3A_205 : vector<16xi32>
      %gather3A_207 = tpu.vector_load_idx %arg17[%add3A_132, %add3A_206] : memref<512x17xf32, #tpu.memory_space<vmem>>[vector<16xi32>, vector<16xi32>], vector<16xf32>,
      %add3A_208 = arith.addf %add3A_198, %gather3A_207 : vector<16xf32>
      %add3A_209 = arith.constant 15 : i32
      %add3A_210 = vector.broadcast %add3A_209 : i32 to vector<16xi32>
      %add3A_211 = arith.addi %broadcast_in_dim3A_3, %add3A_210 : vector<16xi32>
      %gather3A_212 = tpu.vector_load_idx %arg17[%add3A_132, %add3A_211] : memref<512x17xf32, #tpu.memory_space<vmem>>[vector<16xi32>, vector<16xi32>], vector<16xf32>,
      %add3A_213 = arith.addf %add3A_203, %gather3A_212 : vector<16xf32>
      %add3A_214 = arith.addf %get3A_134, %get3A_136 : vector<16xf32>
      %add3A_215 = arith.addf %add3A_208, %add3A_213 : vector<16xf32>
      %add3A_216 = arith.addf %add3A_214, %add3A_215 : vector<16xf32>
      %swap3A_217 = arith.index_cast %mul3A_130 : i32 to index
      %swap3A_218 = tpu.vector_load %arg18[%swap3A_217] {strides = array<i32>} : memref<512xf32, #tpu.memory_space<vmem>>, vector<16xf32>,
      tpu.vector_store %arg18[%swap3A_217], %add3A_216 {strides = array<i32>} : memref<512xf32, #tpu.memory_space<vmem>>, vector<16xf32>,
      %scan3A_219 = arith.constant 0 : i32
      scf.yield %scan3A_219 : i32
    }
    %scan3A_35 = arith.constant 32 : i32
    "tpu.region"() ({
      %run_scoped3A = tpu.sem_alloc : memref<!tpu.dma_semaphore, #tpu.memory_space<semaphore_mem>>
      %dma_start3A_36 = tpu.memref_slice %arg9[%mul3A_2] : memref<16384xf32, #tpu.memory_space<hbm>> -> memref<512xf32, #tpu.memory_space<hbm>>
      %dma_start3A_37 = tpu.memref_slice %arg9[%mul3A_2] : memref<16384xf32, #tpu.memory_space<hbm>> -> memref<512xf32, #tpu.memory_space<hbm>>
      tpu.enqueue_dma source(%arg18 : memref<512xf32, #tpu.memory_space<vmem>>) target(%dma_start3A_37 : memref<512xf32, #tpu.memory_space<hbm>>) target_semaphore(%run_scoped3A : memref<!tpu.dma_semaphore, #tpu.memory_space<semaphore_mem>>)
      %dma_wait3A_38 = tpu.memref_slice %arg9[%mul3A_2] : memref<16384xf32, #tpu.memory_space<hbm>> -> memref<512xf32, #tpu.memory_space<hbm>>
      %dma_wait3A_39 = tpu.memref_slice %arg9[%mul3A_2] : memref<16384xf32, #tpu.memory_space<hbm>> -> memref<512xf32, #tpu.memory_space<hbm>>
      tpu.wait_dma2 semaphore(%run_scoped3A : memref<!tpu.dma_semaphore, #tpu.memory_space<semaphore_mem>>) src(%arg18 : memref<512xf32, #tpu.memory_space<vmem>>) dst(%dma_wait3A_39 : memref<512xf32, #tpu.memory_space<hbm>>)
      tpu.yield
    }) : () -> ()
    return
  }
}

</mosaic_0001>

<sc_bundles>
// kernel: kernel.3.cloned.1.call-start
scs
__scs_entry_jumppad:
0x0: {  	(pc) =	sbr.rel $0x88, $3  }
0x1: {  	(tag) =	ssettag $0x0;
	lr =	simm.s32 $0x1  }
0x2: {  	[smem:$0x3F9B] =	sst lr;
	_ =	strace $0xD0000000  }
0x3: {  	_ = 	snop  }
0x4: {  	_ = 	snop  }
0x5: {  	_ = 	snop  }
0x6: {  	_ = 	snop  }
0x7: {  	_ = 	snop  }
__scs_overlays_trampoline_lowered:
0x8: {  	[smem:$0x3FAA] =	sst s0  }
0x9: {  	[smem:$0x3FAB] =	sst s1  }
0xa: {  	[smem:$0x3FAC] =	sst s2  }
0xb: {  	[smem:$0x3FAD] =	sst s3  }
0xc: {  	[smem:$0x3FAE] =	sst s4  }
0xd: {  	[smem:$0x3FAF] =	sst s5  }
0xe: {  	[smem:$0x3FB0] =	sst s6  }
0xf: {  	[smem:$0x3FB1] =	sst s7  }
0x10: {  	[smem:$0x3FB2] =	sst s8  }
0x11: {  	[smem:$0x3FB3] =	sst s9;
	s0 =	simm.s32 @!p0 $0x0  }
0x12: {  	s1 =	sld [smem:$0x3F99];
	s0 =	simm.s32 @p0 $0x1  }
0x13: {  	[smem:$0x3FB4] =	sst s0;
	s0 =	simm.s32 @!p1 $0x0  }
0x14: {  	s2 =	sld [smem:$0x3F98];
	s0 =	simm.s32 @p1 $0x1  }
0x15: {  	[smem:$0x3FB5] =	sst s0;
	s0 =	simm.s32 @!p2 $0x0  }
0x16: {  	s3 =	sld [smem:$0x3FDB];
	s0 =	simm.s32 @p2 $0x1  }
0x17: {  	s4 =	simm.s32 $0x1BF5;
	[smem:$0x3FB7] =	sst s0  }
0x18: {  	s0 =	sld [smem:$0x3F9A];
	_ =	swait.ge [sflag:s4], $0x0  }
0x19: {  	s7 =	sld [smem:$0x3F9B]  }
0x1a: {  	s8 =	sadd.s32 $0xFFFFE003, lr  }
0x1b: {  	s9 =	sadd.s32 $0xFFFFFEF7, lr;
	s5 =	simm.s32 $0xFFFFFFFF;
	p2 =	slt.u32 s8, $0xFFFFF086  }
0x1c: {  	p1 =	slt.u32 s9, $0xF7A;
	s5 =	simm.s32 @!p2 $0x0  }
0x1d: {  	s5 =	simm.s32 @p1 $0x1;
	p0 =	seq.s32 s7, s2  }
0x1e: {  	s7 =	smul.u32 @!p0 $0xF7A, s2;
	p2 =	seq.s32 @!p0 s5, $0x0  }
0x1f: {  	s9 =	smul.u32 $0xF7A, s1;
	s8 =	simm.s32 @!p0 $0x1BF5;
	p2 =	por !p2, p0  }
0x20: {  	[sflag:s8] =	ssyncset.s32 @!p0 $0xFFFFF086;
	s6 =	sadd.s32 @!p0 s3, s7;
	s7 =	simm.s32 @!p0 $0x108  }
0x21: {  	s3 =	sadd.s32 s3, s9;
	s6 =	sadd.s32 @!p0 $0x88, s6;
	s7 =	simm.s32 @p2 $0x1082  }
0x22: {  	[simem:s7], [sflag:s8] =	dma.local @!p0 [hbm:s6], $0xF7A  }
0x23: {  	s9 =	sor.u32 $0xD0000000, s2;
	s6 =	simm.s32 $0x108;
	_ =	swait.ge @!p0 [sflag:s8], $0x0  }
0x24: {  	s3 =	sadd.s32 $0x88, s3;
	s6 =	simm.s32 @!p1 $0x1082;
	[sflag:s4] =	ssyncset.s32 $0xFFFFF086  }
0x25: {  	[simem:s6], [sflag:s4] =	dma.local [hbm:s3], $0xF7A  }
0x26: {  	[smem:$0x3F9B] =	sst s1;
	(tag) =	ssettag s2;
	_ =	strace s9  }
0x27: {  	s1 =	sld [smem:$0x3FAB]  }
0x28: {  	s2 =	sld [smem:$0x3FAC]  }
0x29: {  	s4 =	sld [smem:$0x3FAE]  }
0x2a: {  	p0 =	seq.s32 s5, $0x0;
	s5 =	sld [smem:$0x3FAF]  }
0x2b: {  	s6 =	sld [smem:$0x3FB0]  }
0x2c: {  	s7 =	sld [smem:$0x3FB1]  }
0x2d: {  	s3 =	simm.s32 $0x108;
	s8 =	sld [smem:$0x3FB2]  }
0x2e: {  	s3 =	simm.s32 @!p0 $0x1082;
	s9 =	sld [smem:$0x3FB3]  }
0x2f: {  	lr =	sadd.s32 s0, s3;
	s0 =	sld [smem:$0x3FAA]  }
0x30: {  	s3 =	sld [smem:$0x3FAD]  }
0x31: {  	[smem:$0x3FB6] =	sst s10  }
0x32: {  	s10 =	sld [smem:$0x3FB4];
	_ =	sdelay $0x3  }
0x33: {  	p0 =	seq.s32 s10, $0x1;
	s10 =	sld [smem:$0x3FB6];
	_ =	sdelay $0x3  }
0x34: {  	[smem:$0x3FB6] =	sst s10  }
0x35: {  	s10 =	sld [smem:$0x3FB5];
	_ =	sdelay $0x3  }
0x36: {  	p1 =	seq.s32 s10, $0x1;
	s10 =	sld [smem:$0x3FB6];
	_ =	sdelay $0x3  }
0x37: {  	[smem:$0x3FB6] =	sst s10  }
0x38: {  	s10 =	sld [smem:$0x3FB7]  }
0x39: {  	_ = 	snop;
	(pc) =	sbr.ind lr, $3  }
0x3a: {  	_ = 	snop  }
0x3b: {  	_ = 	snop  }
0x3c: {  	p2 =	seq.s32 s10, $0x1;
	s10 =	sld [smem:$0x3FB6]  }
0x3d: {  	_ =	shalt  }
0x3e: {  	_ =	shalt  }
0x3f: {  	_ =	shalt  }
0x40: {  	_ =	shalt  }
0x41: {  	_ =	shalt  }
0x42: {  	_ =	shalt  }
0x43: {  	_ =	shalt  }
0x44: {  	_ =	shalt  }
0x45: {  	_ =	shalt  }
0x46: {  	_ =	shalt  }
0x47: {  	_ =	shalt  }
0x48: {  	_ =	shalt  }
0x49: {  	_ =	shalt  }
0x4a: {  	_ =	shalt  }
0x4b: {  	_ =	shalt  }
0x4c: {  	_ =	shalt  }
0x4d: {  	_ =	shalt  }
0x4e: {  	_ =	shalt  }
0x4f: {  	_ =	shalt  }
0x50: {  	_ =	shalt  }
0x51: {  	_ =	shalt  }
0x52: {  	_ =	shalt  }
0x53: {  	_ =	shalt  }
0x54: {  	_ =	shalt  }
0x55: {  	_ =	shalt  }
0x56: {  	_ =	shalt  }
0x57: {  	_ =	shalt  }
0x58: {  	_ =	shalt  }
0x59: {  	_ =	shalt  }
0x5a: {  	_ =	shalt  }
0x5b: {  	_ =	shalt  }
0x5c: {  	_ =	shalt  }
0x5d: {  	_ =	shalt  }
0x5e: {  	_ =	shalt  }
0x5f: {  	_ =	shalt  }
0x60: {  	_ =	shalt  }
0x61: {  	_ =	shalt  }
0x62: {  	_ =	shalt  }
0x63: {  	_ =	shalt  }
0x64: {  	_ =	shalt  }
0x65: {  	_ =	shalt  }
0x66: {  	_ =	shalt  }
0x67: {  	_ =	shalt  }
0x68: {  	_ =	shalt  }
0x69: {  	_ =	shalt  }
0x6a: {  	_ =	shalt  }
0x6b: {  	_ =	shalt  }
0x6c: {  	_ =	shalt  }
0x6d: {  	_ =	shalt  }
0x6e: {  	_ =	shalt  }
0x6f: {  	_ =	shalt  }
0x70: {  	_ =	shalt  }
0x71: {  	_ =	shalt  }
0x72: {  	_ =	shalt  }
0x73: {  	_ =	shalt  }
0x74: {  	_ =	shalt  }
0x75: {  	_ =	shalt  }
0x76: {  	_ =	shalt  }
0x77: {  	_ =	shalt  }
0x78: {  	_ =	shalt  }
0x79: {  	_ =	shalt  }
0x7a: {  	_ =	shalt  }
0x7b: {  	_ =	shalt  }
0x7c: {  	_ =	shalt  }
0x7d: {  	_ =	shalt  }
0x7e: {  	_ =	shalt  }
0x7f: {  	_ =	shalt  }
0x80: {  	_ =	shalt  }
0x81: {  	_ =	shalt  }
0x82: {  	_ =	shalt  }
0x83: {  	_ =	shalt  }
0x84: {  	_ =	shalt  }
0x85: {  	_ =	shalt  }
0x86: {  	_ =	shalt  }
0x87: {  	_ =	shalt  }
.Lfunc_end0:
.L_simem_size_0:
called_computation_lowered:
.L_overlay_start_0:
0x88: {  	s2 =	sld [smem:$0x3FD9]  }
0x89: {  	s3 =	sld [smem:$0x3FFE];
	_ =	sdelay $0x1  }
0x8a: {  	s1 =	srdreg.scid  }
0x8b: {  	s0 =	sand.u32 $0x1, s1  }
0x8c: {  	s17 =	sshll.u32 s0, $0xA;
	s2 =	sadd.s32 s3, s2  }
0x8d: {  	s2 =	sadd.s32 s2, s17  }
0x8e: {  	[smem:$0x3FC2] =	sst s2  }
0x8f: {  	_ = 	snop  }
0x90: {  	s2 =	sld [smem:$0x3FC6]  }
0x91: {  	s18 =	sld [smem:$0x3FD0];
	(tm) =	ssettm $0x1  }
0x92: {  	s4 =	sld [smem:$0x3FFB];
	_ =	sdelay $0x3  }
0x93: {  	_ =	strace s4  }
0x94: {  	s4 =	sld [smem:$0x3FFC];
	_ =	sdelay $0x3  }
0x95: {  	_ =	strace s4  }
0x96: {  	s4 =	sld [smem:$0x3FFD];
	_ =	sdelay $0x3  }
0x97: {  	_ =	strace s4  }
0x98: {  	_ =	strace $0x8FFFFFFF  }
0x99: {  	s19 =	sld [smem:$0x3FDB];
	_ =	sdelay $0x1  }
0x9a: {  	s5 =	simm.s32 $_scs_section_size  }
0x9b: {  	s6 =	simm.s32 $_size__tile_overlayer_lowered;
	s7 =	simm.s32 $_tile_overlayer_lowered  }
0x9c: {  	s22 =	simm.s32 $0x1BFF;
	s21 =	sshll.u32 s7, $0x1;
	s4 =	sadd.s32 s5, s19  }
0x9d: {  	s8 =	simm.s32 $0x0;
	s20 =	sshll.u32 s6, $0x1;
	s6 =	sadd.s32 s21, s4  }
0x9e: {  	[timem:s8], [sflag:s22] =	dma.local [hbm:s6], s20  }
0x9f: {  	_ =	swait.ge [sflag:s22], s20  }
0xa0: {  	s5 =	ssub.s32 $0x0, s20;
	[sflag:s22] =	ssyncset.done $0x0  }
0xa1: {  	[sflag:s22] =	ssyncadd.s32 s5;
	_ =	sdelay $0x1  }
0xa2: {  	s23 =	simm.s32 $0x1B8B  }
0xa3: {  	_ =	swait.ge [sflag:s23], $0x1  }
0xa4: {  	[sflag:s23] =	ssyncset.done $0x0  }
0xa5: {  	s25 =	simm.s32 $0x1B8E;
	s24 =	sld [smem:$0x3FFE];
	[sflag:s23] =	ssyncadd.s32 $0xFFFFFFFF  }
0xa6: {  	s26 =	simm.s32 $execute0_lowered;
	[smem:$0x3FD2] =	sst s25  }
0xa7: {  	s6 =	sshll.u32 s26, $0x1;
	_ =	strace $0x80000046;
	[dreg:$0x1] =	wrdreg $0xFFFFFFFF  }
0xa8: {  	s28 =	simm.s32 $_size_execute0_lowered;
	s4 =	sadd.s32 s4, s6;
	[dreg:$0x0] =	wrdreg $0x0  }
0xa9: {  	s6 =	sshll.u32 s28, $0x1;
	[dreg:$0x2] =	wrdreg s4  }
0xaa: {  	[dreg:$0x3] =	wrdreg s6  }
0xab: {  	[dreg:$0x4] =	wrdreg $0xC0  }
0xac: {  	_ =	task [dreg:s8], $0x5FFFF  }
0xad: {  	[dreg:$0x1] =	wrdreg $0xFFFFFFFF  }
0xae: {  	[dreg:$0x0] =	wrdreg $0x60  }
0xaf: {  	[dreg:$0x2] =	wrdreg s24  }
0xb0: {  	[dreg:$0x3] =	wrdreg s2  }
0xb1: {  	[dreg:$0x4] =	wrdreg s18  }
0xb2: {  	[dreg:$0x5] =	wrdreg $0x9  }
0xb3: {  	_ =	task.clear_ibuf [dreg:s8], $0x6FFFF;
	_ =	strace $0x90000046  }
0xb4: {  	s29 =	simm.s32 $0x9;
	_ =	strace $0x80000048  }
0xb5: {  	_ =	swait.ge [sflag:s29], $0x1  }
0xb6: {  	[sflag:s29] =	ssyncadd.s32 $0xFFFFFFFF  }
0xb7: {  	_ =	strace $0x90000048  }
0xb8: {  	_ =	sfence  }
0xb9: {  	s30 =	sld [smem:$0x0];
	_ =	sdelay $0x2  }
0xba: {  	s31 =	sshll.u32 s1, $0xD;
	s1 =	sshrl.u32 s1, $0x2  }
0xbb: {  	s3 =	sand.u32 $0x4000, s31;
	s1 =	sadd.s32 s1, s30  }
0xbc: {  	s0 =	sor.u32 s3, s0;
	s1 =	sshll.u32 s1, $0x11  }
0xbd: {  	s0 =	sor.u32 s1, s0  }
0xbe: {  	s0 =	sadd.s32 $0x8F2B, s0  }
0xbf: {  	[sflag:s0] =	ssyncadd.remote.s32 $0x1  }
0xc0: {  	_ =	sfence.sel $0xFFFF  }
0xc1: {  	[dreg:$0x0] =	wrdreg $0xFFFFFFFF;
	(pc) =	sbr.abs _section_cstart, $3  }
0xc2: {  	[dreg:$0x1] =	wrdreg $0xFFFFFFFF  }
0xc3: {  	_ =	task.clear_ibuf [dreg:s8], $0x2FFFF;
	_ =	strace $0x9FFFFFFF  }
0xc4: {  	(tm) =	ssettm $0x7FFFFFFF  }
0xc5: {  	_ =	shalt  }
tec
execute0_lowered:
.L_overlay_start_1:
0x0: {  	(tag) =	ssettag $0x1  }
0x1: {  	s0 =	rddreg [dreg:$0x0]  }
0x2: {  	s2 =	rddreg [dreg:$0x1]  }
0x3: {  	s1 =	rddreg [dreg:$0x2]  }
0x4: {  	s3 =	srdreg.scid;
	s5 =	stileid.u32  }
0x5: {  	s12 =	simm.s32 $0x5;
	s13 =	simm.s32 $0x200;
	s14 =	simm.s32 $0x10800  }
0x6: {  	s15 =	simm.s32 $0x400;
	s16 =	simm.s32 $0x8400;
	s17 =	simm.s32 $0x10400  }
0x7: {  	s18 =	simm.s32 $0x10600;
	s19 =	simm.s32 $0x1;
	s20 =	simm.s32 $0x2  }
0x8: {  	v0 =	vlaneseq.u32;
	s21 =	simm.s32 $0x3;
	s22 =	simm.s32 $0x4;
	s23 =	simm.s32 $0x10810  }
0x9: {  	s24 =	simm.s32 $0x13810;
	s25 =	simm.s32 $0x0;
	s4 =	sand.u32 $0x1, s3;
	v0 =	vmul.u32 $0x18, v0  }
0xa: {  	s3 =	simm.s32 $0x0;
	s5 =	sshll.u32 s5, $0x7;
	s7 =	sadd.s32 $0x2C00, s0  }
0xb: {  	s6 =	sshll.u32 s4, $0x6;
	[smem:$0x7FF] =	sst s3;
	s8 =	ssub.s32 $0x2, s4;
	v1 =	vor.u32 $0x1, v0;
	v2 =	vor.u32 $0x2, v0;
	v3 =	vor.u32 $0x3, v0  }
0xc: {  	s4 =	sadd.s32 $0x24CC00, s0;
	s10 =	sor.u32 s6, s5;
	_ =	strace $0x80000047;
	v4 =	vor.u32 $0x4, v0;
	v5 =	vor.u32 $0x5, v0;
	v6 =	vor.u32 $0x6, v0  }
0xd: {  	s5 =	sadd.s32 $0x189600, s0;
	s11 =	sshrl.u32 s8, $0x1;
	s6 =	sadd.s32 $0x5E00, s0;
	v7 =	vor.u32 $0x7, v0;
	v8 =	vadd.s32 $0x8, v0;
	v9 =	vadd.s32 $0x9, v0  }
0xe: {  	v10 =	vadd.s32 $0xA, v0;
	v11 =	vadd.s32 $0xB, v0;
	v12 =	vadd.s32 $0xC, v0;
	s9 =	sadd.s32 s10, s0;
	s31 =	ssub.s32 s8, s11;
	s10 =	sadd.s32 s1, s10  }
0xf: {  	v13 =	vadd.s32 $0xD, v0;
	v14 =	vadd.s32 $0xE, v0;
	v15 =	vadd.s32 $0xF, v0;
	s8 =	sadd.s32 $0x2400, s9;
	s9 =	sadd.s32 $0x1C00, s9;
	s11 =	smax.u32 s31, $0x1  }
.LBB2_1:
0x10: {  	[tilespmem:s3], [sflag:$0x5] =	stream.linear.gather [hbm4b:s8+s3], $0x200, $0x38;
	[tilespmem:$0x13A10] =	vst v63  }
0x11: {  	_ =	swait.ge [sflag:s12], $0x200  }
0x12: {  	[sflag:s12] =	ssyncset.done $0x0  }
0x13: {  	[sflag:s12] =	ssyncadd.s32 $0xFFFFFE00  }
0x14: {  	[tilespmem:s13], [sflag:$0x5] =	stream.linear.gather [hbm4b:s9+s3], $0x200, $0x38;
	[tilespmem:$0x13A10] =	vst v63  }
0x15: {  	_ =	swait.ge [sflag:s12], $0x200  }
0x16: {  	[sflag:s12] =	ssyncset.done $0x0  }
0x17: {  	[sflag:s12] =	ssyncadd.s32 $0xFFFFFE00  }
0x18: {  	[tilespmem:s14], [sflag:$0x5] =	stream.linear.gather [hbm4b:s2+s3], $0x1, $0x38;
	[tilespmem:$0x13A10] =	vst v63  }
0x19: {  	_ =	swait.ge [sflag:s12], $0x1  }
0x1a: {  	[sflag:s12] =	ssyncset.done $0x0  }
0x1b: {  	[sflag:s12] =	ssyncadd.s32 $0xFFFFFFFF  }
0x1c: {  	[tilespmem:s15], [sflag:$0x1] =	stream.indirect.gather [hbm4b:s4+s13], $0x40, s3, s13, $0xb8;
	[tilespmem:$0x13A10] =	vst v63  }
0x1d: {  	_ = 	snop  }
0x1e: {  	[tilespmem:s16], [sflag:$0x2] =	stream.indirect.gather [hbm4b:s5+s13], $0x40, s13, s13, $0xb8;
	[tilespmem:$0x13A10] =	vst v63  }
0x1f: {  	_ = 	snop  }
0x20: {  	[tilespmem:s17], [sflag:$0x3] =	stream.indirect.gather [hbm4b:s6+s13], $0x1, s3, s13, $0xb8;
	[tilespmem:$0x13A10] =	vst v63  }
0x21: {  	_ = 	snop  }
0x22: {  	[tilespmem:s18], [sflag:$0x4] =	stream.indirect.gather [hbm4b:s7+s13], $0x1, s13, s13, $0xb8;
	[tilespmem:$0x13A10] =	vst v63  }
0x23: {  	_ =	swait.ge [sflag:s19], $0x8000  }
0x24: {  	[sflag:s19] =	ssyncset.done $0x0  }
0x25: {  	[sflag:s19] =	ssyncadd.s32 $0xFFFF8000  }
0x26: {  	_ =	swait.ge [sflag:s20], $0x8000  }
0x27: {  	[sflag:s20] =	ssyncset.done $0x0  }
0x28: {  	[sflag:s20] =	ssyncadd.s32 $0xFFFF8000  }
0x29: {  	_ =	swait.ge [sflag:s21], $0x200  }
0x2a: {  	[sflag:s21] =	ssyncset.done $0x0  }
0x2b: {  	[sflag:s21] =	ssyncadd.s32 $0xFFFFFE00  }
0x2c: {  	_ =	swait.ge [sflag:s22], $0x200  }
0x2d: {  	[sflag:s22] =	ssyncset.done $0x0  }
0x2e: {  	s26 =	simm.s32 $0x500;
	[sflag:s22] =	ssyncadd.s32 $0xFFFFFE00  }
0x2f: {  	s28 =	simm.s32 $0x8500;
	v16 =	vld [tilespmem:s26+$0xFFFFFF00]  }
0x30: {  	v17 =	vld [tilespmem:s28+$0xFFFFFF30]  }
0x31: {  	v18 =	vld [tilespmem:s26+$0xFFFFFF30]  }
0x32: {  	v19 =	vld [tilespmem:s28+$0xFFFFFF20]  }
0x33: {  	v20 =	vld [tilespmem:s26+$0xFFFFFF20]  }
0x34: {  	v21 =	vld [tilespmem:s28+$0xFFFFFF10]  }
0x35: {  	v22 =	vld [tilespmem:s26+$0xFFFFFF10]  }
0x36: {  	v23 =	vld [tilespmem:s28+$0xFFFFFF00];
	_ =	sdelay $0x3  }
0x37: {  	v19 =	vmul.f32 v19, v20;
	v20 =	vmul.f32 v21, v22  }
0x38: {  	v16 =	vmul.f32 v23, v16;
	v17 =	vmul.f32 v17, v18;
	_ =	sdelay $0x1  }
0x39: {  	v16 =	vadd.f32 v20, v16;
	v17 =	vadd.f32 v17, v19;
	_ =	sdelay $0x1  }
0x3a: {  	v16 =	vadd.f32 v17, v16  }
0x3b: {  	s29 =	simm.s32 $0x10870  }
0x3c: {  	[tilespmem:s29+$0xFFFFFFA0] =	vst v16  }
0x3d: {  	v16 =	vld [tilespmem:s28+$0xFFFFFF70]  }
0x3e: {  	v17 =	vld [tilespmem:s26+$0xFFFFFF70]  }
0x3f: {  	v18 =	vld [tilespmem:s28+$0xFFFFFF60]  }
0x40: {  	v19 =	vld [tilespmem:s28+$0xFFFFFF50]  }
0x41: {  	v20 =	vld [tilespmem:s28+$0xFFFFFF40]  }
0x42: {  	v21 =	vld [tilespmem:s26+$0xFFFFFF50]  }
0x43: {  	v22 =	vld [tilespmem:s26+$0xFFFFFF60]  }
0x44: {  	v23 =	vld [tilespmem:s26+$0xFFFFFF40];
	_ =	sdelay $0x3  }
0x45: {  	v16 =	vmul.f32 v16, v17;
	v17 =	vmul.f32 v19, v21  }
0x46: {  	v18 =	vmul.f32 v18, v22;
	v19 =	vmul.f32 v20, v23;
	_ =	sdelay $0x1  }
0x47: {  	v16 =	vadd.f32 v16, v18;
	v17 =	vadd.f32 v17, v19;
	_ =	sdelay $0x1  }
0x48: {  	v16 =	vadd.f32 v16, v17;
	_ =	sdelay $0x1  }
0x49: {  	[tilespmem:s29+$0xFFFFFFB8] =	vst v16  }
0x4a: {  	v16 =	vld [tilespmem:s28+$0xFFFFFFB0]  }
0x4b: {  	v17 =	vld [tilespmem:s26+$0xFFFFFFB0]  }
0x4c: {  	v18 =	vld [tilespmem:s28+$0xFFFFFFA0]  }
0x4d: {  	v19 =	vld [tilespmem:s26+$0xFFFFFF90]  }
0x4e: {  	v20 =	vld [tilespmem:s28+$0xFFFFFF90]  }
0x4f: {  	v21 =	vld [tilespmem:s26+$0xFFFFFFA0]  }
0x50: {  	v22 =	vld [tilespmem:s28+$0xFFFFFF80]  }
0x51: {  	v23 =	vld [tilespmem:s26+$0xFFFFFF80];
	_ =	sdelay $0x3  }
0x52: {  	v16 =	vmul.f32 v16, v17;
	v17 =	vmul.f32 v20, v19  }
0x53: {  	v18 =	vmul.f32 v18, v21;
	v19 =	vmul.f32 v22, v23;
	_ =	sdelay $0x1  }
0x54: {  	v16 =	vadd.f32 v16, v18;
	v17 =	vadd.f32 v17, v19;
	_ =	sdelay $0x1  }
0x55: {  	v16 =	vadd.f32 v16, v17;
	_ =	sdelay $0x1  }
0x56: {  	[tilespmem:s29+$0xFFFFFFD0] =	vst v16  }
0x57: {  	v16 =	vld [tilespmem:s28+$0xFFFFFFF0]  }
0x58: {  	v17 =	vld [tilespmem:s28+$0xFFFFFFE0]  }
0x59: {  	v18 =	vld [tilespmem:s26+$0xFFFFFFF0]  }
0x5a: {  	v19 =	vld [tilespmem:s26+$0xFFFFFFE0]  }
0x5b: {  	v20 =	vld [tilespmem:s28+$0xFFFFFFC0]  }
0x5c: {  	v21 =	vld [tilespmem:s28+$0xFFFFFFD0]  }
0x5d: {  	v22 =	vld [tilespmem:s26+$0xFFFFFFD0]  }
0x5e: {  	v23 =	vld [tilespmem:s26+$0xFFFFFFC0];
	_ =	sdelay $0x3  }
0x5f: {  	v17 =	vmul.f32 v17, v19;
	v16 =	vmul.f32 v16, v18  }
0x60: {  	v18 =	vmul.f32 v21, v22;
	v19 =	vmul.f32 v20, v23;
	_ =	sdelay $0x1  }
0x61: {  	v16 =	vadd.f32 v16, v17;
	v17 =	vadd.f32 v18, v19;
	_ =	sdelay $0x1  }
0x62: {  	v16 =	vadd.f32 v16, v17;
	_ =	sdelay $0x1  }
0x63: {  	[tilespmem:s29+$0xFFFFFFE8] =	vst v16  }
0x64: {  	v16 =	vld [tilespmem:s28+$0x30]  }
0x65: {  	v17 =	vld [tilespmem:s26+$0x30]  }
0x66: {  	v18 =	vld [tilespmem:s28+$0x0]  }
0x67: {  	v19 =	vld [tilespmem:s26+$0x10]  }
0x68: {  	v20 =	vld [tilespmem:s28+$0x20]  }
0x69: {  	v21 =	vld [tilespmem:s28+$0x10]  }
0x6a: {  	v22 =	vld [tilespmem:s26+$0x20]  }
0x6b: {  	v23 =	vld [tilespmem:s26+$0x0];
	_ =	sdelay $0x3  }
0x6c: {  	v16 =	vmul.f32 v16, v17;
	v17 =	vmul.f32 v21, v19  }
0x6d: {  	v19 =	vmul.f32 v20, v22;
	v18 =	vmul.f32 v18, v23;
	_ =	sdelay $0x1  }
0x6e: {  	v16 =	vadd.f32 v16, v19;
	v17 =	vadd.f32 v17, v18;
	_ =	sdelay $0x1  }
0x6f: {  	v16 =	vadd.f32 v16, v17;
	_ =	sdelay $0x1  }
0x70: {  	[tilespmem:s29+$0x0] =	vst v16  }
0x71: {  	v16 =	vld [tilespmem:s28+$0x70]  }
0x72: {  	v18 =	vld [tilespmem:s28+$0x50]  }
0x73: {  	v17 =	vld [tilespmem:s26+$0x70]  }
0x74: {  	v20 =	vld [tilespmem:s28+$0x60]  }
0x75: {  	v19 =	vld [tilespmem:s28+$0x40]  }
0x76: {  	s31 =	simm.s32 $0x0;
	v21 =	vld [tilespmem:s26+$0x60]  }
0x77: {  	s0 =	simm.s32 $0x8700;
	s1 =	simm.s32 $0x500;
	s30 =	simm.s32 $0x10870;
	v22 =	vld [tilespmem:s26+$0x50]  }
.LBB2_2:
0x78: {  	s31 =	sadd.s32 $0x8, s31;
	v23 =	vld [tilespmem:s26+$0x40];
	s29 =	sadd.s32 $0xC0, s29;
	s1 =	sadd.s32 $0x200, s1  }
0x79: {  	p0 =	slt.u32 s31, $0x1F8;
	_ =	sdelay $0x1  }
0x7a: {  	v20 =	vmul.f32 v20, v21  }
0x7b: {  	v18 =	vmul.f32 v18, v22  }
0x7c: {  	v16 =	vmul.f32 v16, v17;
	v19 =	vmul.f32 v19, v23;
	_ =	sdelay $0x1  }
0x7d: {  	v16 =	vadd.f32 v16, v20;
	v17 =	vadd.f32 v18, v19;
	_ =	sdelay $0x1  }
0x7e: {  	v16 =	vadd.f32 v16, v17;
	_ =	sdelay $0x1  }
0x7f: {  	[tilespmem:s30+$0x18] =	vst v16  }
0x80: {  	v16 =	vld [tilespmem:s28+$0xB0]  }
0x81: {  	v17 =	vld [tilespmem:s28+$0xA0]  }
0x82: {  	v18 =	vld [tilespmem:s26+$0x90]  }
0x83: {  	v19 =	vld [tilespmem:s28+$0x90]  }
0x84: {  	v20 =	vld [tilespmem:s28+$0x80]  }
0x85: {  	v21 =	vld [tilespmem:s26+$0xB0]  }
0x86: {  	v22 =	vld [tilespmem:s26+$0x80]  }
0x87: {  	v23 =	vld [tilespmem:s26+$0xA0]  }
0x88: {  	v18 =	vmul.f32 v19, v18;
	_ =	sdelay $0x1  }
0x89: {  	v16 =	vmul.f32 v16, v21  }
0x8a: {  	v19 =	vmul.f32 v20, v22  }
0x8b: {  	v17 =	vmul.f32 v17, v23;
	_ =	sdelay $0x1  }
0x8c: {  	v18 =	vadd.f32 v18, v19;
	v16 =	vadd.f32 v16, v17;
	_ =	sdelay $0x1  }
0x8d: {  	v16 =	vadd.f32 v16, v18;
	_ =	sdelay $0x1  }
0x8e: {  	[tilespmem:s30+$0x30] =	vst v16  }
0x8f: {  	v16 =	vld [tilespmem:s26+$0xC0]  }
0x90: {  	v17 =	vld [tilespmem:s28+$0xF0]  }
0x91: {  	v18 =	vld [tilespmem:s28+$0xE0]  }
0x92: {  	v19 =	vld [tilespmem:s28+$0xD0]  }
0x93: {  	v20 =	vld [tilespmem:s26+$0xF0]  }
0x94: {  	v21 =	vld [tilespmem:s28+$0xC0];
	s28 =	smov.u32 s0  }
0x95: {  	v22 =	vld [tilespmem:s26+$0xE0]  }
0x96: {  	v23 =	vld [tilespmem:s26+$0xD0];
	s26 =	smov.u32 s1;
	_ =	sdelay $0x1  }
0x97: {  	v17 =	vmul.f32 v17, v20  }
0x98: {  	v16 =	vmul.f32 v21, v16  }
0x99: {  	v18 =	vmul.f32 v18, v22  }
0x9a: {  	v19 =	vmul.f32 v19, v23  }
0x9b: {  	v17 =	vadd.f32 v17, v18  }
0x9c: {  	v16 =	vadd.f32 v19, v16;
	_ =	sdelay $0x1  }
0x9d: {  	v16 =	vadd.f32 v17, v16;
	_ =	sdelay $0x1  }
0x9e: {  	[tilespmem:s30+$0x48] =	vst v16;
	s30 =	smov.u32 s29  }
0x9f: {  	v16 =	vld [tilespmem:s1+$0xFFFFFF00]  }
0xa0: {  	v17 =	vld [tilespmem:s0+$0xFFFFFF30]  }
0xa1: {  	v18 =	vld [tilespmem:s1+$0xFFFFFF30]  }
0xa2: {  	v19 =	vld [tilespmem:s0+$0xFFFFFF20]  }
0xa3: {  	v20 =	vld [tilespmem:s1+$0xFFFFFF20]  }
0xa4: {  	v21 =	vld [tilespmem:s0+$0xFFFFFF10]  }
0xa5: {  	v22 =	vld [tilespmem:s1+$0xFFFFFF10]  }
0xa6: {  	v23 =	vld [tilespmem:s0+$0xFFFFFF00];
	_ =	sdelay $0x1  }
0xa7: {  	v19 =	vmul.f32 v19, v20;
	_ =	sdelay $0x1  }
0xa8: {  	v20 =	vmul.f32 v21, v22  }
0xa9: {  	v17 =	vmul.f32 v17, v18;
	v16 =	vmul.f32 v23, v16;
	_ =	sdelay $0x1  }
0xaa: {  	v17 =	vadd.f32 v17, v19;
	v16 =	vadd.f32 v20, v16;
	_ =	sdelay $0x1  }
0xab: {  	v16 =	vadd.f32 v17, v16;
	_ =	sdelay $0x1  }
0xac: {  	[tilespmem:s29+$0xFFFFFFA0] =	vst v16  }
0xad: {  	v16 =	vld [tilespmem:s0+$0xFFFFFF70]  }
0xae: {  	v17 =	vld [tilespmem:s1+$0xFFFFFF70]  }
0xaf: {  	v18 =	vld [tilespmem:s0+$0xFFFFFF60]  }
0xb0: {  	v19 =	vld [tilespmem:s0+$0xFFFFFF50]  }
0xb1: {  	v20 =	vld [tilespmem:s0+$0xFFFFFF40]  }
0xb2: {  	v21 =	vld [tilespmem:s1+$0xFFFFFF50]  }
0xb3: {  	v22 =	vld [tilespmem:s1+$0xFFFFFF60];
	v16 =	vmul.f32 v16, v17  }
0xb4: {  	v17 =	vld [tilespmem:s1+$0xFFFFFF40];
	_ =	sdelay $0x2  }
0xb5: {  	v19 =	vmul.f32 v19, v21  }
0xb6: {  	v18 =	vmul.f32 v18, v22  }
0xb7: {  	v17 =	vmul.f32 v20, v17  }
0xb8: {  	v16 =	vadd.f32 v16, v18  }
0xb9: {  	v17 =	vadd.f32 v19, v17;
	_ =	sdelay $0x1  }
0xba: {  	v16 =	vadd.f32 v16, v17;
	_ =	sdelay $0x1  }
0xbb: {  	[tilespmem:s29+$0xFFFFFFB8] =	vst v16  }
0xbc: {  	v16 =	vld [tilespmem:s0+$0xFFFFFFB0]  }
0xbd: {  	v17 =	vld [tilespmem:s1+$0xFFFFFFB0]  }
0xbe: {  	v18 =	vld [tilespmem:s0+$0xFFFFFFA0]  }
0xbf: {  	v19 =	vld [tilespmem:s1+$0xFFFFFF90]  }
0xc0: {  	v20 =	vld [tilespmem:s0+$0xFFFFFF90]  }
0xc1: {  	v21 =	vld [tilespmem:s1+$0xFFFFFFA0]  }
0xc2: {  	v22 =	vld [tilespmem:s0+$0xFFFFFF80];
	v16 =	vmul.f32 v16, v17  }
0xc3: {  	v17 =	vld [tilespmem:s1+$0xFFFFFF80];
	_ =	sdelay $0x1  }
0xc4: {  	v19 =	vmul.f32 v20, v19  }
0xc5: {  	v18 =	vmul.f32 v18, v21;
	_ =	sdelay $0x1  }
0xc6: {  	v17 =	vmul.f32 v22, v17  }
0xc7: {  	v16 =	vadd.f32 v16, v18  }
0xc8: {  	v17 =	vadd.f32 v19, v17;
	_ =	sdelay $0x1  }
0xc9: {  	v16 =	vadd.f32 v16, v17;
	_ =	sdelay $0x1  }
0xca: {  	[tilespmem:s29+$0xFFFFFFD0] =	vst v16  }
0xcb: {  	v16 =	vld [tilespmem:s0+$0xFFFFFFF0]  }
0xcc: {  	v17 =	vld [tilespmem:s0+$0xFFFFFFE0]  }
0xcd: {  	v18 =	vld [tilespmem:s1+$0xFFFFFFF0]  }
0xce: {  	v19 =	vld [tilespmem:s1+$0xFFFFFFE0]  }
0xcf: {  	v20 =	vld [tilespmem:s0+$0xFFFFFFC0]  }
0xd0: {  	v21 =	vld [tilespmem:s0+$0xFFFFFFD0]  }
0xd1: {  	v22 =	vld [tilespmem:s1+$0xFFFFFFD0]  }
0xd2: {  	v23 =	vld [tilespmem:s1+$0xFFFFFFC0]  }
0xd3: {  	v17 =	vmul.f32 v17, v19;
	_ =	sdelay $0x1  }
0xd4: {  	v16 =	vmul.f32 v16, v18  }
0xd5: {  	v18 =	vmul.f32 v21, v22  }
0xd6: {  	v19 =	vmul.f32 v20, v23  }
0xd7: {  	v16 =	vadd.f32 v16, v17  }
0xd8: {  	v17 =	vadd.f32 v18, v19;
	_ =	sdelay $0x1  }
0xd9: {  	v16 =	vadd.f32 v16, v17;
	_ =	sdelay $0x1  }
0xda: {  	[tilespmem:s29+$0xFFFFFFE8] =	vst v16  }
0xdb: {  	v16 =	vld [tilespmem:s0+$0x30]  }
0xdc: {  	v17 =	vld [tilespmem:s1+$0x30]  }
0xdd: {  	v18 =	vld [tilespmem:s0+$0x0]  }
0xde: {  	v19 =	vld [tilespmem:s1+$0x10]  }
0xdf: {  	v20 =	vld [tilespmem:s0+$0x20]  }
0xe0: {  	v21 =	vld [tilespmem:s0+$0x10]  }
0xe1: {  	v22 =	vld [tilespmem:s1+$0x20];
	v16 =	vmul.f32 v16, v17  }
0xe2: {  	v17 =	vld [tilespmem:s1+$0x0];
	_ =	sdelay $0x2  }
0xe3: {  	v19 =	vmul.f32 v21, v19  }
0xe4: {  	v20 =	vmul.f32 v20, v22  }
0xe5: {  	v17 =	vmul.f32 v18, v17  }
0xe6: {  	v16 =	vadd.f32 v16, v20  }
0xe7: {  	v17 =	vadd.f32 v19, v17;
	_ =	sdelay $0x1  }
0xe8: {  	v16 =	vadd.f32 v16, v17;
	_ =	sdelay $0x1  }
0xe9: {  	[tilespmem:s29+$0x0] =	vst v16  }
0xea: {  	v16 =	vld [tilespmem:s0+$0x70]  }
0xeb: {  	v18 =	vld [tilespmem:s0+$0x50]  }
.Ltmp0:
0xec: {  	v17 =	vld [tilespmem:s1+$0x70];
	(pc) =	sbr.rel @p0 .LBB2_2-.Ltmp0, $4  }
0xed: {  	v20 =	vld [tilespmem:s0+$0x60]  }
0xee: {  	v19 =	vld [tilespmem:s0+$0x40]  }
0xef: {  	v21 =	vld [tilespmem:s1+$0x60]  }
0xf0: {  	s0 =	sadd.s32 $0x200, s0;
	v22 =	vld [tilespmem:s1+$0x50]  }
0xf1: {  	v23 =	vld [tilespmem:s26+$0x40];
	_ =	sdelay $0x3  }
0xf2: {  	v16 =	vmul.f32 v16, v17;
	v20 =	vmul.f32 v20, v21  }
0xf3: {  	v18 =	vmul.f32 v18, v22;
	v19 =	vmul.f32 v19, v23;
	_ =	sdelay $0x1  }
0xf4: {  	v16 =	vadd.f32 v16, v20;
	v17 =	vadd.f32 v18, v19;
	_ =	sdelay $0x1  }
0xf5: {  	v16 =	vadd.f32 v16, v17;
	_ =	sdelay $0x1  }
0xf6: {  	[tilespmem:s30+$0x18] =	vst v16  }
0xf7: {  	v16 =	vld [tilespmem:s28+$0xB0]  }
0xf8: {  	v17 =	vld [tilespmem:s28+$0xA0]  }
0xf9: {  	v18 =	vld [tilespmem:s26+$0x90]  }
0xfa: {  	v19 =	vld [tilespmem:s28+$0x90]  }
0xfb: {  	v20 =	vld [tilespmem:s28+$0x80]  }
0xfc: {  	v21 =	vld [tilespmem:s26+$0xB0]  }
0xfd: {  	v22 =	vld [tilespmem:s26+$0x80]  }
0xfe: {  	v23 =	vld [tilespmem:s26+$0xA0];
	_ =	sdelay $0x3  }
0xff: {  	v18 =	vmul.f32 v19, v18;
	v16 =	vmul.f32 v16, v21  }
0x100: {  	v19 =	vmul.f32 v20, v22;
	v17 =	vmul.f32 v17, v23;
	_ =	sdelay $0x1  }
0x101: {  	v18 =	vadd.f32 v18, v19;
	v16 =	vadd.f32 v16, v17;
	_ =	sdelay $0x1  }
0x102: {  	v16 =	vadd.f32 v16, v18;
	_ =	sdelay $0x1  }
0x103: {  	[tilespmem:s30+$0x30] =	vst v16  }
0x104: {  	v16 =	vld [tilespmem:s26+$0xC0]  }
0x105: {  	v17 =	vld [tilespmem:s28+$0xF0]  }
0x106: {  	v18 =	vld [tilespmem:s28+$0xE0]  }
0x107: {  	v19 =	vld [tilespmem:s28+$0xD0]  }
0x108: {  	v20 =	vld [tilespmem:s26+$0xF0]  }
0x109: {  	v21 =	vld [tilespmem:s28+$0xC0]  }
0x10a: {  	v22 =	vld [tilespmem:s26+$0xE0]  }
0x10b: {  	v23 =	vld [tilespmem:s26+$0xD0];
	_ =	sdelay $0x1  }
0x10c: {  	s0 =	simm.s32 $0x0  }
0x10d: {  	v24 =	vmov s0  }
0x10e: {  	v17 =	vmul.f32 v17, v20;
	v16 =	vmul.f32 v21, v16;
	v20 =	vmul.u32 $0x18, v24  }
0x10f: {  	v18 =	vmul.f32 v18, v22;
	v19 =	vmul.f32 v19, v23  }
0x110: {  	v20 =	vbroadcast v20, $0x0  }
0x111: {  	v17 =	vadd.f32 v17, v18;
	v16 =	vadd.f32 v19, v16  }
0x112: {  	v18 =	vadd.s32 v0, v20  }
0x113: {  	v16 =	vadd.f32 v17, v16;
	v17 =	vadd.s32 v2, v20  }
0x114: {  	v19 =	vadd.s32 v1, v20  }
0x115: {  	v21 =	vadd.s32 v3, v20;
	[tilespmem:s30+$0x48] =	vst v16  }
0x116: {  	v22 =	vadd.s32 v4, v20;
	v16 =	vld.msk [tilespmem:$0x10800 ss:$0x0], $0xffff  }
0x117: {  	v23 =	vadd.s32 v5, v20;
	v18 =	vld.idx.msk [tilespmem:v18+s23+$0x0], $0xffff  }
0x118: {  	v24 =	vadd.s32 v6, v20;
	v17 =	vld.idx.msk [tilespmem:v17+s23+$0x0], $0xffff  }
0x119: {  	v25 =	vadd.s32 v7, v20;
	v19 =	vld.idx.msk [tilespmem:v19+s23+$0x0], $0xffff  }
0x11a: {  	v26 =	vadd.s32 v8, v20;
	v21 =	vld.idx.msk [tilespmem:v21+s23+$0x0], $0xffff  }
0x11b: {  	v27 =	vadd.s32 v9, v20;
	v22 =	vld.idx.msk [tilespmem:v22+s23+$0x0], $0xffff  }
0x11c: {  	v29 =	vadd.s32 v11, v20;
	v23 =	vld.idx.msk [tilespmem:v23+s23+$0x0], $0xffff  }
0x11d: {  	v28 =	vadd.s32 v10, v20;
	v24 =	vld.idx.msk [tilespmem:v24+s23+$0x0], $0xffff;
	v18 =	vadd.f32 v18, v16  }
0x11e: {  	v30 =	vadd.s32 v12, v20;
	v25 =	vld.idx.msk [tilespmem:v25+s23+$0x0], $0xffff  }
0x11f: {  	v19 =	vadd.f32 v21, v19;
	v17 =	vadd.f32 v17, v18;
	v18 =	vld.idx.msk [tilespmem:v26+s23+$0x0], $0xffff;
	v26 =	vadd.s32 v13, v20  }
0x120: {  	v21 =	vld.idx.msk [tilespmem:v27+s23+$0x0], $0xffff;
	v27 =	vadd.s32 v15, v20;
	v20 =	vadd.s32 v14, v20  }
0x121: {  	v19 =	vadd.f32 v23, v19;
	v23 =	vld.idx.msk [tilespmem:v29+s23+$0x0], $0xffff;
	v17 =	vadd.f32 v22, v17  }
0x122: {  	v22 =	vld.idx.msk [tilespmem:v28+s23+$0x0], $0xffff  }
0x123: {  	v19 =	vadd.f32 v25, v19;
	v17 =	vadd.f32 v24, v17;
	v24 =	vld.idx.msk [tilespmem:v30+s23+$0x0], $0xffff  }
0x124: {  	v25 =	vld.idx.msk [tilespmem:v26+s23+$0x0], $0xffff  }
0x125: {  	v19 =	vadd.f32 v21, v19;
	v20 =	vld.idx.msk [tilespmem:v20+s23+$0x0], $0xffff;
	v17 =	vadd.f32 v18, v17  }
0x126: {  	s28 =	simm.s32 $0x10610;
	v18 =	vld.idx.msk [tilespmem:v27+s23+$0x0], $0xffff  }
0x127: {  	s1 =	simm.s32 $0x10;
	s26 =	simm.s32 $0x10410;
	v21 =	vld [tilespmem:s28+$0xFFFFFFF0];
	v19 =	vadd.f32 v23, v19;
	v17 =	vadd.f32 v22, v17  }
0x128: {  	v23 =	vmov s1;
	v22 =	vld [tilespmem:s26+$0xFFFFFFF0]  }
0x129: {  	v23 =	vmul.u32 $0x18, v23;
	v17 =	vadd.f32 v24, v17;
	v19 =	vadd.f32 v25, v19;
	_ =	sdelay $0x1  }
0x12a: {  	v17 =	vadd.f32 v20, v17;
	v18 =	vadd.f32 v18, v19;
	v19 =	vbroadcast v23, $0x0;
	_ =	sdelay $0x1  }
0x12b: {  	v20 =	vadd.f32 v21, v22;
	v17 =	vadd.f32 v18, v17;
	v18 =	vadd.s32 v0, v19  }
0x12c: {  	v21 =	vadd.s32 v3, v19  }
0x12d: {  	v22 =	vadd.s32 v1, v19;
	v17 =	vadd.f32 v17, v20  }
0x12e: {  	s1 =	simm.s32 $0x13820;
	v20 =	vadd.s32 v2, v19  }
0x12f: {  	v23 =	vadd.s32 v5, v19;
	[tilespmem:s1+$0xFFFFFFF0] =	vst v17  }
0x130: {  	v17 =	vadd.s32 v4, v19;
	v18 =	vld.idx.msk [tilespmem:v18+s23+$0x0], $0xffff  }
0x131: {  	v24 =	vadd.s32 v6, v19;
	v21 =	vld.idx.msk [tilespmem:v21+s23+$0x0], $0xffff  }
0x132: {  	v25 =	vadd.s32 v7, v19;
	v22 =	vld.idx.msk [tilespmem:v22+s23+$0x0], $0xffff  }
0x133: {  	v26 =	vadd.s32 v8, v19;
	v20 =	vld.idx.msk [tilespmem:v20+s23+$0x0], $0xffff  }
0x134: {  	v27 =	vadd.s32 v9, v19;
	v23 =	vld.idx.msk [tilespmem:v23+s23+$0x0], $0xffff  }
0x135: {  	v62 =	vadd.s32 v11, v19;
	v17 =	vld.idx.msk [tilespmem:v17+s23+$0x0], $0xffff  }
0x136: {  	v61 =	vadd.s32 v10, v19;
	v24 =	vld.idx.msk [tilespmem:v24+s23+$0x0], $0xffff;
	v18 =	vadd.f32 v18, v16  }
0x137: {  	v63 =	vadd.s32 v12, v19;
	v25 =	vld.idx.msk [tilespmem:v25+s23+$0x0], $0xffff  }
0x138: {  	v21 =	vadd.f32 v21, v22;
	v18 =	vadd.f32 v20, v18;
	v20 =	vld.idx.msk [tilespmem:v26+s23+$0x0], $0xffff;
	v26 =	vadd.s32 v13, v19  }
0x139: {  	v22 =	vld.idx.msk [tilespmem:v27+s23+$0x0], $0xffff;
	v27 =	vadd.s32 v14, v19  }
0x13a: {  	v19 =	vadd.s32 v15, v19;
	v21 =	vadd.f32 v23, v21;
	v23 =	vld.idx.msk [tilespmem:v62+s23+$0x0], $0xffff;
	v17 =	vadd.f32 v17, v18  }
0x13b: {  	v18 =	vld.idx.msk [tilespmem:v61+s23+$0x0], $0xffff  }
0x13c: {  	v21 =	vadd.f32 v25, v21;
	v17 =	vadd.f32 v24, v17;
	v24 =	vld.idx.msk [tilespmem:v63+s23+$0x0], $0xffff  }
0x13d: {  	s31 =	simm.s32 $0x20;
	v25 =	vld.idx.msk [tilespmem:v26+s23+$0x0], $0xffff  }
0x13e: {  	v21 =	vadd.f32 v22, v21;
	v26 =	vld.idx.msk [tilespmem:v27+s23+$0x0], $0xffff;
	v17 =	vadd.f32 v20, v17;
	v20 =	vmov s31  }
0x13f: {  	v27 =	vld.idx.msk [tilespmem:v19+s23+$0x0], $0xffff;
	v19 =	vmul.u32 $0x18, v20  }
0x140: {  	v22 =	vld [tilespmem:s28+$0x0];
	v20 =	vadd.f32 v23, v21;
	v18 =	vadd.f32 v18, v17  }
0x141: {  	v23 =	vld [tilespmem:s26+$0x0];
	v17 =	vbroadcast v19, $0x0  }
0x142: {  	v19 =	vadd.f32 v24, v18;
	v25 =	vadd.f32 v25, v20  }
0x143: {  	v20 =	vadd.s32 v0, v17;
	v18 =	vadd.s32 v1, v17;
	v21 =	vadd.s32 v2, v17  }
0x144: {  	s29 =	simm.s32 $0x30;
	s0 =	simm.s32 $0x13840;
	s30 =	simm.s32 $0x2;
	v24 =	vadd.f32 v26, v19;
	v19 =	vadd.s32 v3, v17;
	v25 =	vadd.f32 v27, v25  }
.LBB2_4:
0x145: {  	s30 =	sadd.s32 $0x2, s30;
	s26 =	sadd.s32 $0x20, s26;
	s28 =	sadd.s32 $0x20, s28  }
0x146: {  	p0 =	slt.u32 s30, $0x1E;
	v22 =	vadd.f32 v22, v23;
	v23 =	vadd.f32 v25, v24;
	_ =	sdelay $0x1  }
0x147: {  	v22 =	vadd.f32 v23, v22;
	_ =	sdelay $0x1  }
0x148: {  	v23 =	vadd.s32 v4, v17;
	[tilespmem:s1+$0x0] =	vst v22;
	s1 =	smov.u32 s0  }
0x149: {  	v22 =	vadd.s32 v5, v17;
	v20 =	vld.idx.msk [tilespmem:v20+s23+$0x0], $0xffff  }
0x14a: {  	v24 =	vadd.s32 v6, v17;
	v21 =	vld.idx.msk [tilespmem:v21+s23+$0x0], $0xffff  }
0x14b: {  	v25 =	vadd.s32 v7, v17;
	v18 =	vld.idx.msk [tilespmem:v18+s23+$0x0], $0xffff  }
0x14c: {  	v26 =	vadd.s32 v8, v17;
	v19 =	vld.idx.msk [tilespmem:v19+s23+$0x0], $0xffff  }
0x14d: {  	v27 =	vadd.s32 v9, v17;
	v23 =	vld.idx.msk [tilespmem:v23+s23+$0x0], $0xffff  }
0x14e: {  	v28 =	vadd.s32 v10, v17;
	v22 =	vld.idx.msk [tilespmem:v22+s23+$0x0], $0xffff  }
0x14f: {  	v29 =	vadd.s32 v11, v17;
	v20 =	vadd.f32 v20, v16;
	v24 =	vld.idx.msk [tilespmem:v24+s23+$0x0], $0xffff  }
0x150: {  	v30 =	vadd.s32 v12, v17;
	v25 =	vld.idx.msk [tilespmem:v25+s23+$0x0], $0xffff  }
0x151: {  	v20 =	vadd.f32 v21, v20;
	v21 =	vld.idx.msk [tilespmem:v26+s23+$0x0], $0xffff;
	v26 =	vadd.s32 v13, v17  }
0x152: {  	v18 =	vadd.f32 v19, v18;
	v19 =	vld.idx.msk [tilespmem:v27+s23+$0x0], $0xffff;
	v27 =	vadd.s32 v15, v17  }
0x153: {  	v20 =	vadd.f32 v23, v20;
	v17 =	vadd.s32 v14, v17;
	v23 =	vld.idx.msk [tilespmem:v28+s23+$0x0], $0xffff  }
0x154: {  	v18 =	vadd.f32 v22, v18;
	v22 =	vld.idx.msk [tilespmem:v29+s23+$0x0], $0xffff  }
0x155: {  	v20 =	vadd.f32 v24, v20;
	v24 =	vld.idx.msk [tilespmem:v30+s23+$0x0], $0xffff  }
0x156: {  	v18 =	vadd.f32 v25, v18;
	v25 =	vld.idx.msk [tilespmem:v26+s23+$0x0], $0xffff  }
0x157: {  	v20 =	vadd.f32 v21, v20;
	v21 =	vld.idx.msk [tilespmem:v27+s23+$0x0], $0xffff  }
0x158: {  	v18 =	vadd.f32 v19, v18;
	v17 =	vld.idx.msk [tilespmem:v17+s23+$0x0], $0xffff  }
0x159: {  	v19 =	vadd.f32 v23, v20  }
0x15a: {  	v18 =	vadd.f32 v22, v18;
	v20 =	vld [tilespmem:s28+$0xFFFFFFF0]  }
0x15b: {  	v23 =	vmov s29;
	v19 =	vadd.f32 v24, v19;
	v22 =	vld [tilespmem:s26+$0xFFFFFFF0]  }
0x15c: {  	v23 =	vmul.u32 $0x18, v23;
	v18 =	vadd.f32 v25, v18;
	_ =	sdelay $0x1  }
0x15d: {  	v17 =	vadd.f32 v17, v19;
	v18 =	vadd.f32 v21, v18;
	v19 =	vbroadcast v23, $0x0;
	_ =	sdelay $0x1  }
0x15e: {  	v17 =	vadd.f32 v18, v17;
	v18 =	vadd.s32 v0, v19;
	v20 =	vadd.f32 v20, v22  }
0x15f: {  	v21 =	vadd.s32 v3, v19  }
0x160: {  	v17 =	vadd.f32 v17, v20;
	v20 =	vadd.s32 v2, v19  }
0x161: {  	v22 =	vadd.s32 v1, v19  }
0x162: {  	[tilespmem:s0+$0xFFFFFFF0] =	vst v17;
	v17 =	vadd.s32 v4, v19  }
0x163: {  	v23 =	vadd.s32 v5, v19;
	v18 =	vld.idx.msk [tilespmem:v18+s23+$0x0], $0xffff  }
0x164: {  	v24 =	vadd.s32 v6, v19;
	v21 =	vld.idx.msk [tilespmem:v21+s23+$0x0], $0xffff  }
0x165: {  	v25 =	vadd.s32 v7, v19;
	v20 =	vld.idx.msk [tilespmem:v20+s23+$0x0], $0xffff  }
0x166: {  	v26 =	vadd.s32 v8, v19;
	v22 =	vld.idx.msk [tilespmem:v22+s23+$0x0], $0xffff  }
0x167: {  	v27 =	vadd.s32 v9, v19;
	v17 =	vld.idx.msk [tilespmem:v17+s23+$0x0], $0xffff  }
0x168: {  	v28 =	vadd.s32 v10, v19;
	v23 =	vld.idx.msk [tilespmem:v23+s23+$0x0], $0xffff  }
0x169: {  	v29 =	vadd.s32 v11, v19;
	v18 =	vadd.f32 v18, v16;
	v24 =	vld.idx.msk [tilespmem:v24+s23+$0x0], $0xffff  }
0x16a: {  	v30 =	vadd.s32 v12, v19;
	v25 =	vld.idx.msk [tilespmem:v25+s23+$0x0], $0xffff  }
0x16b: {  	v18 =	vadd.f32 v20, v18;
	v20 =	vld.idx.msk [tilespmem:v26+s23+$0x0], $0xffff;
	v26 =	vadd.s32 v13, v19  }
0x16c: {  	v21 =	vadd.f32 v21, v22;
	v22 =	vld.idx.msk [tilespmem:v27+s23+$0x0], $0xffff;
	v27 =	vadd.s32 v14, v19  }
0x16d: {  	v17 =	vadd.f32 v17, v18;
	v19 =	vadd.s32 v15, v19;
	v18 =	vld.idx.msk [tilespmem:v28+s23+$0x0], $0xffff  }
0x16e: {  	v21 =	vadd.f32 v23, v21;
	v23 =	vld.idx.msk [tilespmem:v29+s23+$0x0], $0xffff  }
0x16f: {  	v17 =	vadd.f32 v24, v17;
	v24 =	vld.idx.msk [tilespmem:v30+s23+$0x0], $0xffff  }
0x170: {  	s29 =	sadd.s32 $0x20, s29;
	v21 =	vadd.f32 v25, v21;
	v25 =	vld.idx.msk [tilespmem:v26+s23+$0x0], $0xffff  }
0x171: {  	s31 =	sadd.s32 $0xFFFFFFF0, s29;
	v17 =	vadd.f32 v20, v17;
	v26 =	vld.idx.msk [tilespmem:v27+s23+$0x0], $0xffff  }
0x172: {  	v20 =	vmov s31;
	v21 =	vadd.f32 v22, v21;
	v27 =	vld.idx.msk [tilespmem:v19+s23+$0x0], $0xffff  }
0x173: {  	v19 =	vmul.u32 $0x18, v20;
	v18 =	vadd.f32 v18, v17  }
.Ltmp1:
0x174: {  	v20 =	vadd.f32 v23, v21;
	v22 =	vld [tilespmem:s28+$0x0];
	(pc) =	sbr.rel @p0 .LBB2_4-.Ltmp1, $4  }
0x175: {  	v17 =	vbroadcast v19, $0x0;
	v19 =	vadd.f32 v24, v18;
	v23 =	vld [tilespmem:s26+$0x0]  }
0x176: {  	v25 =	vadd.f32 v25, v20  }
0x177: {  	v20 =	vadd.s32 v0, v17;
	v18 =	vadd.s32 v1, v17;
	v24 =	vadd.f32 v26, v19  }
0x178: {  	s0 =	sadd.s32 $0x20, s0;
	v21 =	vadd.s32 v2, v17;
	v19 =	vadd.s32 v3, v17;
	v25 =	vadd.f32 v27, v25  }
0x179: {  	_ = 	snop  }
0x17a: {  	v22 =	vadd.f32 v22, v23;
	v56 =	vadd.f32 v25, v24;
	_ =	sdelay $0x1  }
0x17b: {  	v22 =	vadd.f32 v56, v22;
	_ =	sdelay $0x1  }
0x17c: {  	v57 =	vadd.s32 v4, v17;
	[tilespmem:s1+$0x0] =	vst v22  }
0x17d: {  	v58 =	vadd.s32 v5, v17;
	v20 =	vld.idx.msk [tilespmem:v20+s23+$0x0], $0xffff  }
0x17e: {  	v59 =	vadd.s32 v6, v17;
	v21 =	vld.idx.msk [tilespmem:v21+s23+$0x0], $0xffff  }
0x17f: {  	v60 =	vadd.s32 v7, v17;
	v18 =	vld.idx.msk [tilespmem:v18+s23+$0x0], $0xffff  }
0x180: {  	v26 =	vadd.s32 v8, v17;
	v19 =	vld.idx.msk [tilespmem:v19+s23+$0x0], $0xffff  }
0x181: {  	v27 =	vadd.s32 v9, v17;
	v23 =	vld.idx.msk [tilespmem:v57+s23+$0x0], $0xffff  }
0x182: {  	v28 =	vadd.s32 v10, v17;
	v22 =	vld.idx.msk [tilespmem:v58+s23+$0x0], $0xffff  }
0x183: {  	v29 =	vadd.s32 v11, v17;
	v24 =	vld.idx.msk [tilespmem:v59+s23+$0x0], $0xffff;
	v20 =	vadd.f32 v20, v16  }
0x184: {  	v30 =	vadd.s32 v12, v17;
	v25 =	vld.idx.msk [tilespmem:v60+s23+$0x0], $0xffff  }
0x185: {  	v62 =	vadd.s32 v13, v17;
	v61 =	vld.idx.msk [tilespmem:v26+s23+$0x0], $0xffff;
	v18 =	vadd.f32 v19, v18;
	v20 =	vadd.f32 v21, v20  }
0x186: {  	v31 =	vadd.s32 v15, v17;
	v63 =	vld.idx.msk [tilespmem:v27+s23+$0x0], $0xffff  }
0x187: {  	v17 =	vadd.s32 v14, v17;
	v32 =	vld.idx.msk [tilespmem:v28+s23+$0x0], $0xffff;
	v18 =	vadd.f32 v22, v18;
	v20 =	vadd.f32 v23, v20  }
0x188: {  	v33 =	vld.idx.msk [tilespmem:v29+s23+$0x0], $0xffff  }
0x189: {  	v34 =	vld.idx.msk [tilespmem:v30+s23+$0x0], $0xffff;
	v18 =	vadd.f32 v25, v18;
	v20 =	vadd.f32 v24, v20  }
0x18a: {  	v35 =	vld.idx.msk [tilespmem:v62+s23+$0x0], $0xffff  }
0x18b: {  	v36 =	vld.idx.msk [tilespmem:v31+s23+$0x0], $0xffff;
	v18 =	vadd.f32 v63, v18;
	v20 =	vadd.f32 v61, v20  }
0x18c: {  	s31 =	sadd.s32 $0x20, s28;
	v17 =	vld.idx.msk [tilespmem:v17+s23+$0x0], $0xffff  }
0x18d: {  	s26 =	sadd.s32 $0x20, s26;
	v38 =	vld [tilespmem:s31+$0xFFFFFFF0];
	v18 =	vadd.f32 v33, v18;
	v37 =	vadd.f32 v32, v20  }
0x18e: {  	v40 =	vmov s29;
	v39 =	vld [tilespmem:s26+$0xFFFFFFF0]  }
0x18f: {  	v23 =	vmul.u32 $0x18, v40;
	v18 =	vadd.f32 v35, v18;
	v19 =	vadd.f32 v34, v37;
	_ =	sdelay $0x1  }
0x190: {  	v41 =	vbroadcast v23, $0x0;
	v18 =	vadd.f32 v36, v18;
	v17 =	vadd.f32 v17, v19;
	_ =	sdelay $0x1  }
0x191: {  	v42 =	vadd.s32 v0, v41;
	v20 =	vadd.f32 v38, v39;
	v17 =	vadd.f32 v18, v17  }
0x192: {  	v43 =	vadd.s32 v3, v41  }
0x193: {  	v44 =	vadd.s32 v2, v41;
	v17 =	vadd.f32 v17, v20  }
0x194: {  	v45 =	vadd.s32 v1, v41  }
0x195: {  	v23 =	vadd.s32 v5, v41;
	[tilespmem:s0+$0xFFFFFFF0] =	vst v17  }
0x196: {  	v17 =	vadd.s32 v4, v41;
	v18 =	vld.idx.msk [tilespmem:v42+s23+$0x0], $0xffff  }
0x197: {  	v46 =	vadd.s32 v6, v41;
	v21 =	vld.idx.msk [tilespmem:v43+s23+$0x0], $0xffff  }
0x198: {  	v47 =	vadd.s32 v7, v41;
	v20 =	vld.idx.msk [tilespmem:v44+s23+$0x0], $0xffff  }
0x199: {  	v48 =	vadd.s32 v8, v41;
	v22 =	vld.idx.msk [tilespmem:v45+s23+$0x0], $0xffff  }
0x19a: {  	v49 =	vadd.s32 v9, v41;
	v23 =	vld.idx.msk [tilespmem:v23+s23+$0x0], $0xffff  }
0x19b: {  	v52 =	vadd.s32 v11, v41;
	v17 =	vld.idx.msk [tilespmem:v17+s23+$0x0], $0xffff  }
0x19c: {  	v50 =	vadd.s32 v10, v41;
	v51 =	vld.idx.msk [tilespmem:v46+s23+$0x0], $0xffff;
	v16 =	vadd.f32 v18, v16  }
0x19d: {  	v53 =	vadd.s32 v12, v41;
	v25 =	vld.idx.msk [tilespmem:v47+s23+$0x0], $0xffff  }
0x19e: {  	v55 =	vadd.s32 v13, v41;
	v54 =	vld.idx.msk [tilespmem:v48+s23+$0x0], $0xffff;
	v21 =	vadd.f32 v21, v22;
	v16 =	vadd.f32 v20, v16  }
0x19f: {  	v57 =	vadd.s32 v14, v41;
	v56 =	vld.idx.msk [tilespmem:v49+s23+$0x0], $0xffff  }
0x1a0: {  	v19 =	vadd.s32 v15, v41;
	v58 =	vld.idx.msk [tilespmem:v52+s23+$0x0], $0xffff;
	v21 =	vadd.f32 v23, v21;
	v16 =	vadd.f32 v17, v16  }
0x1a1: {  	v17 =	vld.idx.msk [tilespmem:v50+s23+$0x0], $0xffff  }
0x1a2: {  	v59 =	vld.idx.msk [tilespmem:v53+s23+$0x0], $0xffff;
	v21 =	vadd.f32 v25, v21;
	v16 =	vadd.f32 v51, v16  }
0x1a3: {  	v60 =	vld.idx.msk [tilespmem:v55+s23+$0x0], $0xffff  }
0x1a4: {  	v61 =	vld.idx.msk [tilespmem:v57+s23+$0x0], $0xffff;
	v21 =	vadd.f32 v56, v21;
	v16 =	vadd.f32 v54, v16  }
0x1a5: {  	v19 =	vld.idx.msk [tilespmem:v19+s23+$0x0], $0xffff  }
0x1a6: {  	v62 =	vld [tilespmem:s26+$0x0];
	v21 =	vadd.f32 v58, v21;
	v16 =	vadd.f32 v17, v16  }
0x1a7: {  	v17 =	vld [tilespmem:s31+$0x0]  }
0x1a8: {  	v63 =	vadd.f32 v60, v21;
	v16 =	vadd.f32 v59, v16;
	_ =	sdelay $0x1  }
0x1a9: {  	v18 =	vadd.f32 v19, v63;
	v16 =	vadd.f32 v61, v16;
	_ =	sdelay $0x1  }
0x1aa: {  	v17 =	vadd.f32 v17, v62;
	v16 =	vadd.f32 v18, v16;
	_ =	sdelay $0x1  }
0x1ab: {  	s25 =	sadd.s32 $0x1, s25;
	v16 =	vadd.f32 v16, v17  }
0x1ac: {  	p0 =	sne.s32 s25, s11  }
.Ltmp2:
0x1ad: {  	[tilespmem:s0+$0x0] =	vst v16;
	(pc) =	sbr.rel @p0 .LBB2_1-.Ltmp2, $4  }
0x1ae: {  	[hbm4b:s10+s3] =	stream.linear.scatter [tilespmem:s24], [sflag:$0x5], $0x200, $0x38;
	[tilespmem:$0x13A10] =	vst v63  }
0x1af: {  	_ =	swait.ge [sflag:s12], $0x200  }
0x1b0: {  	[sflag:s12] =	ssyncset.done $0x0  }
0x1b1: {  	[sflag:s12] =	ssyncadd.s32 $0xFFFFFE00  }
0x1b2: {  	_ =	sfence.sel $0x180000  }
0x1b3: {  	[bflag:$0x0] =	sbarrier.arrive $0xFFFF  }
0x1b4: {  	_ =	strace $0x90000047  }
0x1b5: {  	s0 =	stileid.u32;
	[bflag:$0x2] =	sbarrier.arrive $0xFFFF  }
0x1b6: {  	p0 =	sne.s32 s0, $0x0;
	s0 =	rddreg [dreg:$0x3]  }
0x1b7: {  	s0 =	sadd.s32 @!p0 $0x100000, s0  }
0x1b8: {  	[sflag:s0] =	ssyncadd.tile.s32 @!p0 $0x1;
	_ =	shalt  }
.Lfunc_end2:
_tile_overlayer_lowered:
.L_overlay_start_2:
0x1b9: {  	(tag) =	ssettag $0x2  }
0x1ba: {  	s0 =	rddreg [dreg:$0x0];
	s2 =	stileid.u32  }
0x1bb: {  	s1 =	rddreg [dreg:$0x1];
	p0 =	sne.s32 s2, $0x0  }
0x1bc: {  	s3 =	rddreg [dreg:$0x2];
	[bflag:$0x3] =	sbarrier.arrive $0xFFFF;
	s2 =	simm.s32 @!p0 $0x1C05  }
0x1bd: {  	[timem:s3], [sflag:s2] =	dma.local @!p0 [hbm:s0], s1  }
0x1be: {  	s0 =	simm.s32 @!p0 $0x5  }
0x1bf: {  	_ =	swait.ge @!p0 [sflag:s0], s1  }
0x1c0: {  	s1 =	ssub.s32 @!p0 $0x0, s1;
	[sflag:s0] =	ssyncset.done @!p0 $0x0  }
0x1c1: {  	[sflag:s0] =	ssyncadd.s32 @!p0 s1  }
0x1c2: {  	[bflag:$0x3] =	sbarrier.arrive $0xFFFF  }
0x1c3: {  	_ =	shalt  }

</sc_bundles>
